<compile_context>
chip_gen: v7x
topology: tpu7x:2x2x1
jax: 0.10.2.dev20260603
libtpu: 0.0.44.dev20260713+nightly
codegen_flags: <defaults>
</compile_context>

<pallas_src>
import functools

import jax
import jax.numpy as jnp
from jax import lax
from jax.experimental import pallas as pl
from jax.experimental.pallas import tpu as pltpu
from jax.experimental.pallas import tpu_sc as plsc

N = 10000
NPAD = 10240
E = 320000
D_FEAT = 128
EMB_DIM = 1024
HID = 128
OUT = 64

NC = 2
NS = 16
NW = NC * NS

_MESH = dict(core_axis_name="c", subcore_axis_name="s", num_cores=NC,
             num_subcores=NS)

EMB_ROWS_PER_W = NPAD // NW
EMB_CHUNK = 64


@functools.partial(
    pl.kernel,
    out_type=jax.ShapeDtypeStruct((NPAD, EMB_DIM), jnp.float32),
    mesh=plsc.VectorSubcoreMesh(**_MESH),
    compiler_params=pltpu.CompilerParams(needs_layout_passes=False),
    scratch_types=[
        pltpu.VMEM((EMB_CHUNK,), jnp.int32),
        pltpu.VMEM((EMB_CHUNK, EMB_DIM), jnp.float32),
        pltpu.SemaphoreType.DMA,
    ],
)
def _emb_gather(table_hbm, ids_hbm, out_hbm, idx_v, rows_v, sem):
    wid = lax.axis_index("s") * NC + lax.axis_index("c")
    base = wid * EMB_ROWS_PER_W

    def body(i, _):
        off = base + i * EMB_CHUNK
        pltpu.sync_copy(ids_hbm.at[pl.ds(off, EMB_CHUNK)], idx_v)
        pltpu.async_copy(table_hbm.at[idx_v], rows_v, sem).wait()
        pltpu.sync_copy(rows_v, out_hbm.at[pl.ds(off, EMB_CHUNK)])
        return 0

    lax.fori_loop(0, EMB_ROWS_PER_W // EMB_CHUNK, body, 0)


EPAD = 323584
DEG_EPT = EPAD // NW
DEG_CHUNK = 2528
NROW = NPAD // 128


@functools.partial(
    pl.kernel,
    out_type=jax.ShapeDtypeStruct((NW, NPAD), jnp.float32),
    mesh=plsc.VectorSubcoreMesh(**_MESH),
    compiler_params=pltpu.CompilerParams(needs_layout_passes=False),
    scratch_types=[
        pltpu.VMEM((NPAD,), jnp.float32),
        pltpu.VMEM((DEG_CHUNK,), jnp.int32),
        pltpu.VMEM((DEG_CHUNK,), jnp.float32),
    ],
)
def _degree(dst_hbm, ew_hbm, out_hbm, degp_v, dst_v, ew_v):
    cid = lax.axis_index("c")
    sid = lax.axis_index("s")
    wid = sid * NC + cid

    def zero_lane(j, _):
        degp_v[pl.ds(j * 16, 16)] = jnp.zeros((16,), jnp.float32)
        return 0

    lax.fori_loop(0, NPAD // 16, zero_lane, 0)

    ebase = wid * DEG_EPT

    def chunk(ci, _):
        off = ebase + ci * DEG_CHUNK
        pltpu.sync_copy(dst_hbm.at[pl.ds(off, DEG_CHUNK)], dst_v)
        pltpu.sync_copy(ew_hbm.at[pl.ds(off, DEG_CHUNK)], ew_v)

        def grp(i, _):
            nid = dst_v[pl.ds(i * 16, 16)]
            val = ew_v[pl.ds(i * 16, 16)]
            plsc.addupdate_scatter(degp_v, [nid], val)
            return 0

        lax.fori_loop(0, DEG_CHUNK // 16, grp, 0)
        return 0

    lax.fori_loop(0, DEG_EPT // DEG_CHUNK, chunk, 0)
    pltpu.sync_copy(degp_v, out_hbm.at[wid])


FPT = HID // NW
QWORDS = NPAD * FPT
MP_CHUNK = 2048
MP_NCHUNK = EPAD // MP_CHUNK


@functools.partial(
    pl.kernel,
    out_type=jax.ShapeDtypeStruct((NW, QWORDS), jnp.float32),
    mesh=plsc.VectorSubcoreMesh(**_MESH),
    compiler_params=pltpu.CompilerParams(needs_layout_passes=False),
    scratch_types=[
        pltpu.VMEM((QWORDS,), jnp.float32),
        pltpu.VMEM((QWORDS,), jnp.float32),
        pltpu.VMEM((MP_CHUNK,), jnp.int32),
        pltpu.VMEM((MP_CHUNK,), jnp.int32),
        pltpu.VMEM((MP_CHUNK,), jnp.float32),
    ],
)
def _msgpass(qt_hbm, src_hbm, dst_hbm, ew_hbm, out_hbm,
             q_v, acc_v, src_v, dst_v, ew_v):
    cid = lax.axis_index("c")
    sid = lax.axis_index("s")
    wid = sid * NC + cid

    pltpu.sync_copy(qt_hbm.at[wid], q_v)

    def zero_lane(j, _):
        acc_v[pl.ds(j * 16, 16)] = jnp.zeros((16,), jnp.float32)
        return 0

    lax.fori_loop(0, QWORDS // 16, zero_lane, 0)

    def chunk(ci, _):
        off = ci * MP_CHUNK
        pltpu.sync_copy(src_hbm.at[pl.ds(off, MP_CHUNK)], src_v)
        pltpu.sync_copy(dst_hbm.at[pl.ds(off, MP_CHUNK)], dst_v)
        pltpu.sync_copy(ew_hbm.at[pl.ds(off, MP_CHUNK)], ew_v)

        def grp(g, _):
            sl = pl.ds(g * 16, 16)
            s16 = src_v[sl] << 2
            d16 = dst_v[sl] << 2
            w16 = ew_v[sl]
            for j in range(FPT):
                v = plsc.load_gather(q_v, [s16 + j])
                plsc.addupdate_scatter(acc_v, [d16 + j], v * w16)
            return 0

        lax.fori_loop(0, MP_CHUNK // 16, grp, 0)
        return 0

    lax.fori_loop(0, MP_NCHUNK, chunk, 0)
    pltpu.sync_copy(acc_v, out_hbm.at[wid])


RB = 256
GRID = NPAD // RB


def _prep_body(degp_ref, dinv_ref):
    deg = 1.0 + jnp.sum(degp_ref[...], axis=0)
    dinv_ref[...] = jnp.where(deg > 0, lax.rsqrt(jnp.maximum(deg, 1e-30)),
                              0.0)


def _prep(deg_parts):
    return pl.pallas_call(
        _prep_body,
        out_shape=jax.ShapeDtypeStruct((NROW, 128), jnp.float32),
    )(deg_parts.reshape(NW, NROW, 128))


def _mm1_body(h_ref, w_ref, dinv_ref, q_ref, st_ref):
    p = jnp.dot(h_ref[...], w_ref[...], preferred_element_type=jnp.float32)
    dinv = dinv_ref[...]
    q = p * dinv
    q_ref[...] = q
    st_ref[...] = q * dinv


def _mm1(h0, W1, dinv_col):
    return pl.pallas_call(
        _mm1_body,
        grid=(GRID,),
        in_specs=[
            pl.BlockSpec((RB, D_FEAT + EMB_DIM), lambda i: (i, 0)),
            pl.BlockSpec((D_FEAT + EMB_DIM, HID), lambda i: (0, 0)),
            pl.BlockSpec((RB, HID), lambda i: (i, 0)),
        ],
        out_specs=[
            pl.BlockSpec((RB, HID), lambda i: (i, 0)),
            pl.BlockSpec((RB, HID), lambda i: (i, 0)),
        ],
        out_shape=[
            jax.ShapeDtypeStruct((NPAD, HID), jnp.float32),
            jax.ShapeDtypeStruct((NPAD, HID), jnp.float32),
        ],
    )(h0, W1, dinv_col)


def _mm2_body(acc_ref, st_ref, b_ref, w_ref, dinv_ref, q_ref, st2_ref):
    dinv = dinv_ref[...]
    agg = dinv * acc_ref[...] + st_ref[...] + b_ref[...]
    h = jnp.maximum(agg, 0.0)
    p = jnp.dot(h, w_ref[...], preferred_element_type=jnp.float32)
    q = p * dinv
    q_ref[...] = q
    st2_ref[...] = q * dinv


def _mm2(acc, st1, b1, W2, dinv_col):
    return pl.pallas_call(
        _mm2_body,
        grid=(GRID,),
        in_specs=[
            pl.BlockSpec((RB, HID), lambda i: (i, 0)),
            pl.BlockSpec((RB, HID), lambda i: (i, 0)),
            pl.BlockSpec((1, HID), lambda i: (0, 0)),
            pl.BlockSpec((HID, HID), lambda i: (0, 0)),
            pl.BlockSpec((RB, HID), lambda i: (i, 0)),
        ],
        out_specs=[
            pl.BlockSpec((RB, HID), lambda i: (i, 0)),
            pl.BlockSpec((RB, HID), lambda i: (i, 0)),
        ],
        out_shape=[
            jax.ShapeDtypeStruct((NPAD, HID), jnp.float32),
            jax.ShapeDtypeStruct((NPAD, HID), jnp.float32),
        ],
    )(acc, st1, b1, W2, dinv_col)


def _mm3_body(acc_ref, st_ref, b_ref, w_ref, bfc_ref, dinv_ref, out_ref):
    dinv = dinv_ref[...]
    agg = dinv * acc_ref[...] + st_ref[...] + b_ref[...]
    h = jnp.maximum(agg, 0.0)
    out_ref[...] = jnp.dot(h, w_ref[...],
                           preferred_element_type=jnp.float32) + bfc_ref[...]


def _mm3(acc, st2, b2, Wfc, bfc, dinv_col):
    return pl.pallas_call(
        _mm3_body,
        grid=(GRID,),
        in_specs=[
            pl.BlockSpec((RB, HID), lambda i: (i, 0)),
            pl.BlockSpec((RB, HID), lambda i: (i, 0)),
            pl.BlockSpec((1, HID), lambda i: (0, 0)),
            pl.BlockSpec((HID, OUT), lambda i: (0, 0)),
            pl.BlockSpec((1, OUT), lambda i: (0, 0)),
            pl.BlockSpec((RB, HID), lambda i: (i, 0)),
        ],
        out_specs=pl.BlockSpec((RB, OUT), lambda i: (i, 0)),
        out_shape=jax.ShapeDtypeStruct((NPAD, OUT), jnp.float32),
    )(acc, st2, b2, Wfc, bfc, dinv_col)


@jax.jit
def kernel(x, edge_index, edge_attr, node_ids, emb, W1, b1, W2, b2, Wfc, bfc):
    src = edge_index[0]
    dst = edge_index[1]
    epad = EPAD - E
    src_p = jnp.pad(src, (0, epad))
    dst_p = jnp.pad(dst, (0, epad))
    ew_p = jnp.pad(edge_attr, (0, epad))
    ids_p = jnp.pad(node_ids, (0, NPAD - N))
    x_p = jnp.pad(x, ((0, NPAD - N), (0, 0)))

    erows = _emb_gather(emb, ids_p)
    deg_parts = _degree(dst_p, ew_p)
    dinv = _prep(deg_parts)
    dinv_col = jnp.broadcast_to(
        dinv.reshape(NPAD, 1), (NPAD, HID))

    def to_tiles(q):
        return q.reshape(NPAD, NW, FPT).transpose(1, 0, 2).reshape(
            NW, QWORDS)

    def from_tiles(a):
        return a.reshape(NW, NPAD, FPT).transpose(1, 0, 2).reshape(
            NPAD, HID)

    h0 = jnp.concatenate([x_p, erows], axis=1)
    q1, st1 = _mm1(h0, W1, dinv_col)
    acc1 = from_tiles(_msgpass(to_tiles(q1), src_p, dst_p, ew_p))
    q2, st2 = _mm2(acc1, st1, b1.reshape(1, HID), W2, dinv_col)
    acc2 = from_tiles(_msgpass(to_tiles(q2), src_p, dst_p, ew_p))
    out = _mm3(acc2, st2, b2.reshape(1, HID), Wfc, bfc.reshape(1, OUT),
               dinv_col)
    return out[:N]

# --- scband reference (transcript-rebuilt; emitter-appended) ---
"""Pipeline reference for scband-node-gcn-embed-33397665693789 (READ-ONLY COPY).

The authoritative reference and input builder live on the scoring server;
editing this copy changes nothing except your own understanding.
"""

import jax, jax.numpy as jnp
import numpy as np

N = 10000
E = 320000
D_FEAT = 128
EMB_DIM = 1024
HID = 128
OUT = 64
VOCAB = 55049


def setup_inputs(seed: int = 0):
    key = jax.random.key(seed)
    ks = jax.random.split(key, 12)
    x = jax.random.normal(ks[0], (N, D_FEAT), dtype=jnp.float32)
    edge_index = jax.random.randint(ks[1], (2, E), 0, N, dtype=jnp.int32)
    edge_attr = jax.random.uniform(ks[2], (E,), dtype=jnp.float32)
    node_ids = jax.random.randint(ks[3], (N,), 0, VOCAB, dtype=jnp.int32)
    emb = jax.random.normal(ks[4], (VOCAB, EMB_DIM), dtype=jnp.float32)
    d_in1 = D_FEAT + EMB_DIM
    W1 = jax.random.uniform(ks[5], (d_in1, HID), dtype=jnp.float32, minval=-1.0, maxval=1.0) * np.sqrt(6.0 / (d_in1 + HID))
    b1 = jnp.zeros((HID,), dtype=jnp.float32)
    W2 = jax.random.uniform(ks[6], (HID, HID), dtype=jnp.float32, minval=-1.0, maxval=1.0) * np.sqrt(6.0 / (HID + HID))
    b2 = jnp.zeros((HID,), dtype=jnp.float32)
    Wfc = jax.random.uniform(ks[7], (HID, OUT), dtype=jnp.float32, minval=-1.0, maxval=1.0) * np.sqrt(6.0 / (HID + OUT))
    bfc = jnp.zeros((OUT,), dtype=jnp.float32)
    return {"x": x, "edge_index": edge_index, "edge_attr": edge_attr, "node_ids": node_ids,
            "emb": emb, "W1": W1, "b1": b1, "W2": W2, "b2": b2, "Wfc": Wfc, "bfc": bfc}


def reference(x, edge_index, edge_attr, node_ids, emb, W1, b1, W2, b2, Wfc, bfc):
    # PyG GCNConv with edge_weight: gcn_norm adds self-loops (weight 1.0),
    # norm = D^{-1/2}[src] * w * D^{-1/2}[dst], aggregate at dst, bias after aggregation.
    src, dst = edge_index[0], edge_index[1]
    loop = jnp.arange(N, dtype=src.dtype)
    src_f = jnp.concatenate([src, loop])
    dst_f = jnp.concatenate([dst, loop])
    ew = jnp.concatenate([edge_attr, jnp.ones((N,), dtype=edge_attr.dtype)])
    deg = jnp.zeros((N,), dtype=jnp.float32).at[dst_f].add(ew)
    deg_safe = jnp.where(deg > 0, deg, 1.0)
    dinv = jnp.where(deg > 0, jax.lax.rsqrt(deg_safe), 0.0)
    norm = dinv[src_f] * ew * dinv[dst_f]

    def conv(h, W, b):
        m = (h @ W)[src_f] * norm[:, None]
        agg = jnp.zeros((N, W.shape[1]), dtype=h.dtype).at[dst_f].add(m)
        return agg + b

    h = jnp.concatenate([x, jnp.take(emb, node_ids, axis=0)], axis=1)
    h = jax.nn.relu(conv(h, W1, b1))  # dropout is identity in eval mode
    h = jax.nn.relu(conv(h, W2, b2))
    return h @ Wfc + bfc

if __name__ == "__main__":
    import jax
    _d = setup_inputs()
    print(jax.jit(kernel)(*tuple(_d.values())))

</pallas_src>

<mosaic_0001>
#map = affine_map<(d0, d1) -> (0, 0)>
#map1 = affine_map<(d0, d1) -> (0)>
module attributes {stable_mosaic.version = 14 : i64} {
  func.func @_emb_gather(%arg0: i32, %arg1: i32, %arg2: memref<55049x1024xf32, #tpu.memory_space<hbm>>, %arg3: memref<10240xi32, #tpu.memory_space<hbm>>, %arg4: memref<10240x1024xf32, #tpu.memory_space<hbm>>, %arg5: memref<64xi32, #tpu.memory_space<vmem>>, %arg6: memref<64x1024xf32, #tpu.memory_space<vmem>>, %arg7: memref<!tpu.dma_semaphore, #tpu.memory_space<semaphore_mem>>) attributes {dimension_semantics = [#tpu.dimension_semantics<core_parallel>, #tpu.dimension_semantics<subcore_parallel>], iteration_bounds = array<i64: 2, 16>, scalar_prefetch = 0 : i64, scratch_operands = 3 : i64, tpu.core_type = #tpu.core_type<sc_vector_subcore>, window_params = [{transform_indices = #map}, {transform_indices = #map1}, {transform_indices = #map}]} {
    %mul3A = arith.constant 2 : i32
    %mul3A_0 = arith.muli %arg1, %mul3A : i32
    %add3A = arith.addi %mul3A_0, %arg0 : i32
    %mul3A_1 = arith.constant 320 : i32
    %mul3A_2 = arith.muli %add3A, %mul3A_1 : i32
    %scan3A = arith.constant 0 : i32
    %scan3A_3 = arith.constant 0 : i32
    %scan3A_4 = arith.constant 5 : i32
    %scan3A_5 = arith.addi %scan3A_3, %scan3A_4 : i32
    %scan3A_6 = arith.constant 1 : i32
    %scan3A_7 = scf.for %scan3A_9 = %scan3A_3 to %scan3A_5 step %scan3A_6 iter_args(%scan3A_10 = %scan3A) -> (i32)  : i32 {
      %mul3A_11 = arith.constant 64 : i32
      %mul3A_12 = arith.muli %scan3A_9, %mul3A_11 : i32
      %add3A_13 = arith.addi %mul3A_2, %mul3A_12 : i32
      "tpu.region"() ({
        %run_scoped3A = tpu.sem_alloc : memref<!tpu.dma_semaphore, #tpu.memory_space<semaphore_mem>>
        %dma_start3A_19 = tpu.memref_slice %arg3[%add3A_13] : memref<10240xi32, #tpu.memory_space<hbm>> -> memref<64xi32, #tpu.memory_space<hbm>>
        %dma_start3A_20 = tpu.memref_slice %arg3[%add3A_13] : memref<10240xi32, #tpu.memory_space<hbm>> -> memref<64xi32, #tpu.memory_space<hbm>>
        tpu.enqueue_dma source(%dma_start3A_20 : memref<64xi32, #tpu.memory_space<hbm>>) target(%arg5 : memref<64xi32, #tpu.memory_space<vmem>>) target_semaphore(%run_scoped3A : memref<!tpu.dma_semaphore, #tpu.memory_space<semaphore_mem>>)
        %dma_wait3A_21 = tpu.memref_slice %arg3[%add3A_13] : memref<10240xi32, #tpu.memory_space<hbm>> -> memref<64xi32, #tpu.memory_space<hbm>>
        %dma_wait3A_22 = tpu.memref_slice %arg3[%add3A_13] : memref<10240xi32, #tpu.memory_space<hbm>> -> memref<64xi32, #tpu.memory_space<hbm>>
        tpu.wait_dma2 semaphore(%run_scoped3A : memref<!tpu.dma_semaphore, #tpu.memory_space<semaphore_mem>>) src(%dma_wait3A_22 : memref<64xi32, #tpu.memory_space<hbm>>) dst(%arg5 : memref<64xi32, #tpu.memory_space<vmem>>)
        tpu.yield
      }) : () -> ()
      %dma_start3A = arith.constant 0 : i32
      %dma_start3A_14 = arith.constant 0 : i32
      %dma_start3A_15 = tpu.memref_slice %arg2[%dma_start3A, %dma_start3A_14] : memref<55049x1024xf32, #tpu.memory_space<hbm>> -> memref<55049x1024xf32, #tpu.memory_space<hbm>>
      tpu.enqueue_indirect_dma source(%dma_start3A_15 : memref<55049x1024xf32, #tpu.memory_space<hbm>>) target(%arg6 : memref<64x1024xf32, #tpu.memory_space<vmem>>) offsets(%arg5 : memref<64xi32, #tpu.memory_space<vmem>>) semaphore(%arg7 : memref<!tpu.dma_semaphore, #tpu.memory_space<semaphore_mem>>)
      %dma_wait3A = arith.constant 0 : i32
      %dma_wait3A_16 = arith.constant 0 : i32
      %dma_wait3A_17 = tpu.memref_slice %arg2[%dma_wait3A, %dma_wait3A_16] : memref<55049x1024xf32, #tpu.memory_space<hbm>> -> memref<55049x1024xf32, #tpu.memory_space<hbm>>
      tpu.wait_indirect_dma semaphore(%arg7 : memref<!tpu.dma_semaphore, #tpu.memory_space<semaphore_mem>>) src(%dma_wait3A_17 : memref<55049x1024xf32, #tpu.memory_space<hbm>>) dst(%arg6 : memref<64x1024xf32, #tpu.memory_space<vmem>>)
      "tpu.region"() ({
        %run_scoped3A = tpu.sem_alloc : memref<!tpu.dma_semaphore, #tpu.memory_space<semaphore_mem>>
        %dma_start3A_19 = arith.constant 0 : i32
        %dma_start3A_20 = tpu.memref_slice %arg4[%add3A_13, %dma_start3A_19] : memref<10240x1024xf32, #tpu.memory_space<hbm>> -> memref<64x1024xf32, #tpu.memory_space<hbm>>
        %dma_start3A_21 = arith.constant 0 : i32
        %dma_start3A_22 = tpu.memref_slice %arg4[%add3A_13, %dma_start3A_21] : memref<10240x1024xf32, #tpu.memory_space<hbm>> -> memref<64x1024xf32, #tpu.memory_space<hbm>>
        tpu.enqueue_dma source(%arg6 : memref<64x1024xf32, #tpu.memory_space<vmem>>) target(%dma_start3A_22 : memref<64x1024xf32, #tpu.memory_space<hbm>>) target_semaphore(%run_scoped3A : memref<!tpu.dma_semaphore, #tpu.memory_space<semaphore_mem>>)
        %dma_wait3A_23 = arith.constant 0 : i32
        %dma_wait3A_24 = tpu.memref_slice %arg4[%add3A_13, %dma_wait3A_23] : memref<10240x1024xf32, #tpu.memory_space<hbm>> -> memref<64x1024xf32, #tpu.memory_space<hbm>>
        %dma_wait3A_25 = arith.constant 0 : i32
        %dma_wait3A_26 = tpu.memref_slice %arg4[%add3A_13, %dma_wait3A_25] : memref<10240x1024xf32, #tpu.memory_space<hbm>> -> memref<64x1024xf32, #tpu.memory_space<hbm>>
        tpu.wait_dma2 semaphore(%run_scoped3A : memref<!tpu.dma_semaphore, #tpu.memory_space<semaphore_mem>>) src(%arg6 : memref<64x1024xf32, #tpu.memory_space<vmem>>) dst(%dma_wait3A_26 : memref<64x1024xf32, #tpu.memory_space<hbm>>)
        tpu.yield
      }) : () -> ()
      %scan3A_18 = arith.constant 0 : i32
      scf.yield %scan3A_18 : i32
    }
    %scan3A_8 = arith.constant 5 : i32
    return
  }
}

#map = affine_map<(d0, d1) -> (0, 0)>
#map1 = affine_map<(d0, d1) -> (0)>
module attributes {stable_mosaic.version = 14 : i64} {
  func.func @_msgpass(%arg0: i32, %arg1: i32, %arg2: memref<32x40960xf32, #tpu.memory_space<hbm>>, %arg3: memref<323584xi32, #tpu.memory_space<hbm>>, %arg4: memref<323584xi32, #tpu.memory_space<hbm>>, %arg5: memref<323584xf32, #tpu.memory_space<hbm>>, %arg6: memref<32x40960xf32, #tpu.memory_space<hbm>>, %arg7: memref<40960xf32, #tpu.memory_space<vmem>>, %arg8: memref<40960xf32, #tpu.memory_space<vmem>>, %arg9: memref<2048xi32, #tpu.memory_space<vmem>>, %arg10: memref<2048xi32, #tpu.memory_space<vmem>>, %arg11: memref<2048xf32, #tpu.memory_space<vmem>>) attributes {dimension_semantics = [#tpu.dimension_semantics<core_parallel>, #tpu.dimension_semantics<subcore_parallel>], iteration_bounds = array<i64: 2, 16>, scalar_prefetch = 0 : i64, scratch_operands = 5 : i64, tpu.core_type = #tpu.core_type<sc_vector_subcore>, window_params = [{transform_indices = #map}, {transform_indices = #map1}, {transform_indices = #map1}, {transform_indices = #map1}, {transform_indices = #map}]} {
    %mul3A = arith.constant 2 : i32
    %mul3A_0 = arith.muli %arg1, %mul3A : i32
    %add3A = arith.addi %mul3A_0, %arg0 : i32
    "tpu.region"() ({
      %run_scoped3A = tpu.sem_alloc : memref<!tpu.dma_semaphore, #tpu.memory_space<semaphore_mem>>
      %dma_start3A = arith.constant 0 : i32
      %dma_start3A_14 = tpu.memref_slice %arg2[%add3A, %dma_start3A] : memref<32x40960xf32, #tpu.memory_space<hbm>> -> memref<1x40960xf32, #tpu.memory_space<hbm>>
      %dma_start3A_15 = tpu.memref_squeeze %dma_start3A_14 : memref<1x40960xf32, #tpu.memory_space<hbm>> -> memref<40960xf32, #tpu.memory_space<hbm>>
      %dma_start3A_16 = arith.constant 0 : i32
      %dma_start3A_17 = tpu.memref_slice %arg2[%add3A, %dma_start3A_16] : memref<32x40960xf32, #tpu.memory_space<hbm>> -> memref<1x40960xf32, #tpu.memory_space<hbm>>
      %dma_start3A_18 = tpu.memref_squeeze %dma_start3A_17 : memref<1x40960xf32, #tpu.memory_space<hbm>> -> memref<40960xf32, #tpu.memory_space<hbm>>
      tpu.enqueue_dma source(%dma_start3A_18 : memref<40960xf32, #tpu.memory_space<hbm>>) target(%arg7 : memref<40960xf32, #tpu.memory_space<vmem>>) target_semaphore(%run_scoped3A : memref<!tpu.dma_semaphore, #tpu.memory_space<semaphore_mem>>)
      %dma_wait3A = arith.constant 0 : i32
      %dma_wait3A_19 = tpu.memref_slice %arg2[%add3A, %dma_wait3A] : memref<32x40960xf32, #tpu.memory_space<hbm>> -> memref<1x40960xf32, #tpu.memory_space<hbm>>
      %dma_wait3A_20 = tpu.memref_squeeze %dma_wait3A_19 : memref<1x40960xf32, #tpu.memory_space<hbm>> -> memref<40960xf32, #tpu.memory_space<hbm>>
      %dma_wait3A_21 = arith.constant 0 : i32
      %dma_wait3A_22 = tpu.memref_slice %arg2[%add3A, %dma_wait3A_21] : memref<32x40960xf32, #tpu.memory_space<hbm>> -> memref<1x40960xf32, #tpu.memory_space<hbm>>
      %dma_wait3A_23 = tpu.memref_squeeze %dma_wait3A_22 : memref<1x40960xf32, #tpu.memory_space<hbm>> -> memref<40960xf32, #tpu.memory_space<hbm>>
      tpu.wait_dma2 semaphore(%run_scoped3A : memref<!tpu.dma_semaphore, #tpu.memory_space<semaphore_mem>>) src(%dma_wait3A_23 : memref<40960xf32, #tpu.memory_space<hbm>>) dst(%arg7 : memref<40960xf32, #tpu.memory_space<vmem>>)
      tpu.yield
    }) : () -> ()
    %scan3A = arith.constant 0 : i32
    %scan3A_1 = arith.constant 0 : i32
    %scan3A_2 = arith.constant 2560 : i32
    %scan3A_3 = arith.addi %scan3A_1, %scan3A_2 : i32
    %scan3A_4 = arith.constant 1 : i32
    %scan3A_5 = scf.for %scan3A_14 = %scan3A_1 to %scan3A_3 step %scan3A_4 iter_args(%scan3A_15 = %scan3A) -> (i32)  : i32 {
      %broadcast_in_dim3A = arith.constant 0.000000e+00 : f32
      %broadcast_in_dim3A_16 = vector.broadcast %broadcast_in_dim3A : f32 to vector<16xf32>
      %mul3A_17 = arith.constant 16 : i32
      %mul3A_18 = arith.muli %scan3A_14, %mul3A_17 : i32
      %swap3A = arith.index_cast %mul3A_18 : i32 to index
      %swap3A_19 = tpu.vector_load %arg8[%swap3A] {strides = array<i32>} : memref<40960xf32, #tpu.memory_space<vmem>>, vector<16xf32>,
      tpu.vector_store %arg8[%swap3A], %broadcast_in_dim3A_16 {strides = array<i32>} : memref<40960xf32, #tpu.memory_space<vmem>>, vector<16xf32>,
      %scan3A_20 = arith.constant 0 : i32
      scf.yield %scan3A_20 : i32
    }
    %scan3A_6 = arith.constant 2560 : i32
    %scan3A_7 = arith.constant 0 : i32
    %scan3A_8 = arith.constant 0 : i32
    %scan3A_9 = arith.constant 158 : i32
    %scan3A_10 = arith.addi %scan3A_8, %scan3A_9 : i32
    %scan3A_11 = arith.constant 1 : i32
    %scan3A_12 = scf.for %scan3A_14 = %scan3A_8 to %scan3A_10 step %scan3A_11 iter_args(%scan3A_15 = %scan3A_7) -> (i32)  : i32 {
      %mul3A_16 = arith.constant 2048 : i32
      %mul3A_17 = arith.muli %scan3A_14, %mul3A_16 : i32
      "tpu.region"() ({
        %run_scoped3A = tpu.sem_alloc : memref<!tpu.dma_semaphore, #tpu.memory_space<semaphore_mem>>
        %dma_start3A = tpu.memref_slice %arg3[%mul3A_17] : memref<323584xi32, #tpu.memory_space<hbm>> -> memref<2048xi32, #tpu.memory_space<hbm>>
        %dma_start3A_26 = tpu.memref_slice %arg3[%mul3A_17] : memref<323584xi32, #tpu.memory_space<hbm>> -> memref<2048xi32, #tpu.memory_space<hbm>>
        tpu.enqueue_dma source(%dma_start3A_26 : memref<2048xi32, #tpu.memory_space<hbm>>) target(%arg9 : memref<2048xi32, #tpu.memory_space<vmem>>) target_semaphore(%run_scoped3A : memref<!tpu.dma_semaphore, #tpu.memory_space<semaphore_mem>>)
        %dma_wait3A = tpu.memref_slice %arg3[%mul3A_17] : memref<323584xi32, #tpu.memory_space<hbm>> -> memref<2048xi32, #tpu.memory_space<hbm>>
        %dma_wait3A_27 = tpu.memref_slice %arg3[%mul3A_17] : memref<323584xi32, #tpu.memory_space<hbm>> -> memref<2048xi32, #tpu.memory_space<hbm>>
        tpu.wait_dma2 semaphore(%run_scoped3A : memref<!tpu.dma_semaphore, #tpu.memory_space<semaphore_mem>>) src(%dma_wait3A_27 : memref<2048xi32, #tpu.memory_space<hbm>>) dst(%arg9 : memref<2048xi32, #tpu.memory_space<vmem>>)
        tpu.yield
      }) : () -> ()
      "tpu.region"() ({
        %run_scoped3A = tpu.sem_alloc : memref<!tpu.dma_semaphore, #tpu.memory_space<semaphore_mem>>
        %dma_start3A = tpu.memref_slice %arg4[%mul3A_17] : memref<323584xi32, #tpu.memory_space<hbm>> -> memref<2048xi32, #tpu.memory_space<hbm>>
        %dma_start3A_26 = tpu.memref_slice %arg4[%mul3A_17] : memref<323584xi32, #tpu.memory_space<hbm>> -> memref<2048xi32, #tpu.memory_space<hbm>>
        tpu.enqueue_dma source(%dma_start3A_26 : memref<2048xi32, #tpu.memory_space<hbm>>) target(%arg10 : memref<2048xi32, #tpu.memory_space<vmem>>) target_semaphore(%run_scoped3A : memref<!tpu.dma_semaphore, #tpu.memory_space<semaphore_mem>>)
        %dma_wait3A = tpu.memref_slice %arg4[%mul3A_17] : memref<323584xi32, #tpu.memory_space<hbm>> -> memref<2048xi32, #tpu.memory_space<hbm>>
        %dma_wait3A_27 = tpu.memref_slice %arg4[%mul3A_17] : memref<323584xi32, #tpu.memory_space<hbm>> -> memref<2048xi32, #tpu.memory_space<hbm>>
        tpu.wait_dma2 semaphore(%run_scoped3A : memref<!tpu.dma_semaphore, #tpu.memory_space<semaphore_mem>>) src(%dma_wait3A_27 : memref<2048xi32, #tpu.memory_space<hbm>>) dst(%arg10 : memref<2048xi32, #tpu.memory_space<vmem>>)
        tpu.yield
      }) : () -> ()
      "tpu.region"() ({
        %run_scoped3A = tpu.sem_alloc : memref<!tpu.dma_semaphore, #tpu.memory_space<semaphore_mem>>
        %dma_start3A = tpu.memref_slice %arg5[%mul3A_17] : memref<323584xf32, #tpu.memory_space<hbm>> -> memref<2048xf32, #tpu.memory_space<hbm>>
        %dma_start3A_26 = tpu.memref_slice %arg5[%mul3A_17] : memref<323584xf32, #tpu.memory_space<hbm>> -> memref<2048xf32, #tpu.memory_space<hbm>>
        tpu.enqueue_dma source(%dma_start3A_26 : memref<2048xf32, #tpu.memory_space<hbm>>) target(%arg11 : memref<2048xf32, #tpu.memory_space<vmem>>) target_semaphore(%run_scoped3A : memref<!tpu.dma_semaphore, #tpu.memory_space<semaphore_mem>>)
        %dma_wait3A = tpu.memref_slice %arg5[%mul3A_17] : memref<323584xf32, #tpu.memory_space<hbm>> -> memref<2048xf32, #tpu.memory_space<hbm>>
        %dma_wait3A_27 = tpu.memref_slice %arg5[%mul3A_17] : memref<323584xf32, #tpu.memory_space<hbm>> -> memref<2048xf32, #tpu.memory_space<hbm>>
        tpu.wait_dma2 semaphore(%run_scoped3A : memref<!tpu.dma_semaphore, #tpu.memory_space<semaphore_mem>>) src(%dma_wait3A_27 : memref<2048xf32, #tpu.memory_space<hbm>>) dst(%arg11 : memref<2048xf32, #tpu.memory_space<vmem>>)
        tpu.yield
      }) : () -> ()
      %scan3A_18 = arith.constant 0 : i32
      %scan3A_19 = arith.constant 0 : i32
      %scan3A_20 = arith.constant 128 : i32
      %scan3A_21 = arith.addi %scan3A_19, %scan3A_20 : i32
      %scan3A_22 = arith.constant 1 : i32
      %scan3A_23 = scf.for %scan3A_26 = %scan3A_19 to %scan3A_21 step %scan3A_22 iter_args(%scan3A_27 = %scan3A_18) -> (i32)  : i32 {
        %mul3A_28 = arith.constant 16 : i32
        %mul3A_29 = arith.muli %scan3A_26, %mul3A_28 : i32
        %get3A = arith.index_cast %mul3A_29 : i32 to index
        %get3A_30 = tpu.vector_load %arg9[%get3A] {strides = array<i32>} : memref<2048xi32, #tpu.memory_space<vmem>>, vector<16xi32>,
        %shift_left3A = arith.constant 2 : i32
        %shift_left3A_31 = vector.broadcast %shift_left3A : i32 to vector<16xi32>
        %shift_left3A_32 = arith.shli %get3A_30, %shift_left3A_31 : vector<16xi32>
        %get3A_33 = arith.index_cast %mul3A_29 : i32 to index
        %get3A_34 = tpu.vector_load %arg10[%get3A_33] {strides = array<i32>} : memref<2048xi32, #tpu.memory_space<vmem>>, vector<16xi32>,
        %shift_left3A_35 = arith.constant 2 : i32
        %shift_left3A_36 = vector.broadcast %shift_left3A_35 : i32 to vector<16xi32>
        %shift_left3A_37 = arith.shli %get3A_34, %shift_left3A_36 : vector<16xi32>
        %get3A_38 = arith.index_cast %mul3A_29 : i32 to index
        %get3A_39 = tpu.vector_load %arg11[%get3A_38] {strides = array<i32>} : memref<2048xf32, #tpu.memory_space<vmem>>, vector<16xf32>,
        %add3A_40 = arith.constant 0 : i32
        %add3A_41 = vector.broadcast %add3A_40 : i32 to vector<16xi32>
        %add3A_42 = arith.addi %shift_left3A_32, %add3A_41 : vector<16xi32>
        %gather3A = tpu.vector_load_idx %arg7[%add3A_42] : memref<40960xf32, #tpu.memory_space<vmem>>[vector<16xi32>], vector<16xf32>,
        %add3A_43 = arith.constant 0 : i32
        %add3A_44 = vector.broadcast %add3A_43 : i32 to vector<16xi32>
        %add3A_45 = arith.addi %shift_left3A_37, %add3A_44 : vector<16xi32>
        %mul3A_46 = arith.mulf %gather3A, %get3A_39 : vector<16xf32>
        tpu.vector_store_idx %arg8[%add3A_45], %mul3A_46 {add = true} : memref<40960xf32, #tpu.memory_space<vmem>>[vector<16xi32>], vector<16xf32>,
        %add3A_47 = arith.constant 1 : i32
        %add3A_48 = vector.broadcast %add3A_47 : i32 to vector<16xi32>
        %add3A_49 = arith.addi %shift_left3A_32, %add3A_48 : vector<16xi32>
        %gather3A_50 = tpu.vector_load_idx %arg7[%add3A_49] : memref<40960xf32, #tpu.memory_space<vmem>>[vector<16xi32>], vector<16xf32>,
        %add3A_51 = arith.constant 1 : i32
        %add3A_52 = vector.broadcast %add3A_51 : i32 to vector<16xi32>
        %add3A_53 = arith.addi %shift_left3A_37, %add3A_52 : vector<16xi32>
        %mul3A_54 = arith.mulf %gather3A_50, %get3A_39 : vector<16xf32>
        tpu.vector_store_idx %arg8[%add3A_53], %mul3A_54 {add = true} : memref<40960xf32, #tpu.memory_space<vmem>>[vector<16xi32>], vector<16xf32>,
        %add3A_55 = arith.constant 2 : i32
        %add3A_56 = vector.broadcast %add3A_55 : i32 to vector<16xi32>
        %add3A_57 = arith.addi %shift_left3A_32, %add3A_56 : vector<16xi32>
        %gather3A_58 = tpu.vector_load_idx %arg7[%add3A_57] : memref<40960xf32, #tpu.memory_space<vmem>>[vector<16xi32>], vector<16xf32>,
        %add3A_59 = arith.constant 2 : i32
        %add3A_60 = vector.broadcast %add3A_59 : i32 to vector<16xi32>
        %add3A_61 = arith.addi %shift_left3A_37, %add3A_60 : vector<16xi32>
        %mul3A_62 = arith.mulf %gather3A_58, %get3A_39 : vector<16xf32>
        tpu.vector_store_idx %arg8[%add3A_61], %mul3A_62 {add = true} : memref<40960xf32, #tpu.memory_space<vmem>>[vector<16xi32>], vector<16xf32>,
        %add3A_63 = arith.constant 3 : i32
        %add3A_64 = vector.broadcast %add3A_63 : i32 to vector<16xi32>
        %add3A_65 = arith.addi %shift_left3A_32, %add3A_64 : vector<16xi32>
        %gather3A_66 = tpu.vector_load_idx %arg7[%add3A_65] : memref<40960xf32, #tpu.memory_space<vmem>>[vector<16xi32>], vector<16xf32>,
        %add3A_67 = arith.constant 3 : i32
        %add3A_68 = vector.broadcast %add3A_67 : i32 to vector<16xi32>
        %add3A_69 = arith.addi %shift_left3A_37, %add3A_68 : vector<16xi32>
        %mul3A_70 = arith.mulf %gather3A_66, %get3A_39 : vector<16xf32>
        tpu.vector_store_idx %arg8[%add3A_69], %mul3A_70 {add = true} : memref<40960xf32, #tpu.memory_space<vmem>>[vector<16xi32>], vector<16xf32>,
        %scan3A_71 = arith.constant 0 : i32
        scf.yield %scan3A_71 : i32
      }
      %scan3A_24 = arith.constant 128 : i32
      %scan3A_25 = arith.constant 0 : i32
      scf.yield %scan3A_25 : i32
    }
    %scan3A_13 = arith.constant 158 : i32
    "tpu.region"() ({
      %run_scoped3A = tpu.sem_alloc : memref<!tpu.dma_semaphore, #tpu.memory_space<semaphore_mem>>
      %dma_start3A = arith.constant 0 : i32
      %dma_start3A_14 = tpu.memref_slice %arg6[%add3A, %dma_start3A] : memref<32x40960xf32, #tpu.memory_space<hbm>> -> memref<1x40960xf32, #tpu.memory_space<hbm>>
      %dma_start3A_15 = tpu.memref_squeeze %dma_start3A_14 : memref<1x40960xf32, #tpu.memory_space<hbm>> -> memref<40960xf32, #tpu.memory_space<hbm>>
      %dma_start3A_16 = arith.constant 0 : i32
      %dma_start3A_17 = tpu.memref_slice %arg6[%add3A, %dma_start3A_16] : memref<32x40960xf32, #tpu.memory_space<hbm>> -> memref<1x40960xf32, #tpu.memory_space<hbm>>
      %dma_start3A_18 = tpu.memref_squeeze %dma_start3A_17 : memref<1x40960xf32, #tpu.memory_space<hbm>> -> memref<40960xf32, #tpu.memory_space<hbm>>
      tpu.enqueue_dma source(%arg8 : memref<40960xf32, #tpu.memory_space<vmem>>) target(%dma_start3A_18 : memref<40960xf32, #tpu.memory_space<hbm>>) target_semaphore(%run_scoped3A : memref<!tpu.dma_semaphore, #tpu.memory_space<semaphore_mem>>)
      %dma_wait3A = arith.constant 0 : i32
      %dma_wait3A_19 = tpu.memref_slice %arg6[%add3A, %dma_wait3A] : memref<32x40960xf32, #tpu.memory_space<hbm>> -> memref<1x40960xf32, #tpu.memory_space<hbm>>
      %dma_wait3A_20 = tpu.memref_squeeze %dma_wait3A_19 : memref<1x40960xf32, #tpu.memory_space<hbm>> -> memref<40960xf32, #tpu.memory_space<hbm>>
      %dma_wait3A_21 = arith.constant 0 : i32
      %dma_wait3A_22 = tpu.memref_slice %arg6[%add3A, %dma_wait3A_21] : memref<32x40960xf32, #tpu.memory_space<hbm>> -> memref<1x40960xf32, #tpu.memory_space<hbm>>
      %dma_wait3A_23 = tpu.memref_squeeze %dma_wait3A_22 : memref<1x40960xf32, #tpu.memory_space<hbm>> -> memref<40960xf32, #tpu.memory_space<hbm>>
      tpu.wait_dma2 semaphore(%run_scoped3A : memref<!tpu.dma_semaphore, #tpu.memory_space<semaphore_mem>>) src(%arg8 : memref<40960xf32, #tpu.memory_space<vmem>>) dst(%dma_wait3A_23 : memref<40960xf32, #tpu.memory_space<hbm>>)
      tpu.yield
    }) : () -> ()
    return
  }
}

#map = affine_map<(d0, d1) -> (0)>
#map1 = affine_map<(d0, d1) -> (0, 0)>
module attributes {stable_mosaic.version = 14 : i64} {
  func.func @_degree(%arg0: i32, %arg1: i32, %arg2: memref<323584xi32, #tpu.memory_space<hbm>>, %arg3: memref<323584xf32, #tpu.memory_space<hbm>>, %arg4: memref<32x10240xf32, #tpu.memory_space<hbm>>, %arg5: memref<10240xf32, #tpu.memory_space<vmem>>, %arg6: memref<2528xi32, #tpu.memory_space<vmem>>, %arg7: memref<2528xf32, #tpu.memory_space<vmem>>) attributes {dimension_semantics = [#tpu.dimension_semantics<core_parallel>, #tpu.dimension_semantics<subcore_parallel>], iteration_bounds = array<i64: 2, 16>, scalar_prefetch = 0 : i64, scratch_operands = 3 : i64, tpu.core_type = #tpu.core_type<sc_vector_subcore>, window_params = [{transform_indices = #map}, {transform_indices = #map}, {transform_indices = #map1}]} {
    %mul3A = arith.constant 2 : i32
    %mul3A_0 = arith.muli %arg1, %mul3A : i32
    %add3A = arith.addi %mul3A_0, %arg0 : i32
    %scan3A = arith.constant 0 : i32
    %scan3A_1 = arith.constant 0 : i32
    %scan3A_2 = arith.constant 640 : i32
    %scan3A_3 = arith.addi %scan3A_1, %scan3A_2 : i32
    %scan3A_4 = arith.constant 1 : i32
    %scan3A_5 = scf.for %scan3A_16 = %scan3A_1 to %scan3A_3 step %scan3A_4 iter_args(%scan3A_17 = %scan3A) -> (i32)  : i32 {
      %broadcast_in_dim3A = arith.constant 0.000000e+00 : f32
      %broadcast_in_dim3A_18 = vector.broadcast %broadcast_in_dim3A : f32 to vector<16xf32>
      %mul3A_19 = arith.constant 16 : i32
      %mul3A_20 = arith.muli %scan3A_16, %mul3A_19 : i32
      %swap3A = arith.index_cast %mul3A_20 : i32 to index
      %swap3A_21 = tpu.vector_load %arg5[%swap3A] {strides = array<i32>} : memref<10240xf32, #tpu.memory_space<vmem>>, vector<16xf32>,
      tpu.vector_store %arg5[%swap3A], %broadcast_in_dim3A_18 {strides = array<i32>} : memref<10240xf32, #tpu.memory_space<vmem>>, vector<16xf32>,
      %scan3A_22 = arith.constant 0 : i32
      scf.yield %scan3A_22 : i32
    }
    %scan3A_6 = arith.constant 640 : i32
    %mul3A_7 = arith.constant 10112 : i32
    %mul3A_8 = arith.muli %add3A, %mul3A_7 : i32
    %scan3A_9 = arith.constant 0 : i32
    %scan3A_10 = arith.constant 0 : i32
    %scan3A_11 = arith.constant 4 : i32
    %scan3A_12 = arith.addi %scan3A_10, %scan3A_11 : i32
    %scan3A_13 = arith.constant 1 : i32
    %scan3A_14 = scf.for %scan3A_16 = %scan3A_10 to %scan3A_12 step %scan3A_13 iter_args(%scan3A_17 = %scan3A_9) -> (i32)  : i32 {
      %mul3A_18 = arith.constant 2528 : i32
      %mul3A_19 = arith.muli %scan3A_16, %mul3A_18 : i32
      %add3A_20 = arith.addi %mul3A_8, %mul3A_19 : i32
      "tpu.region"() ({
        %run_scoped3A = tpu.sem_alloc : memref<!tpu.dma_semaphore, #tpu.memory_space<semaphore_mem>>
        %dma_start3A = tpu.memref_slice %arg2[%add3A_20] : memref<323584xi32, #tpu.memory_space<hbm>> -> memref<2528xi32, #tpu.memory_space<hbm>>
        %dma_start3A_29 = tpu.memref_slice %arg2[%add3A_20] : memref<323584xi32, #tpu.memory_space<hbm>> -> memref<2528xi32, #tpu.memory_space<hbm>>
        tpu.enqueue_dma source(%dma_start3A_29 : memref<2528xi32, #tpu.memory_space<hbm>>) target(%arg6 : memref<2528xi32, #tpu.memory_space<vmem>>) target_semaphore(%run_scoped3A : memref<!tpu.dma_semaphore, #tpu.memory_space<semaphore_mem>>)
        %dma_wait3A = tpu.memref_slice %arg2[%add3A_20] : memref<323584xi32, #tpu.memory_space<hbm>> -> memref<2528xi32, #tpu.memory_space<hbm>>
        %dma_wait3A_30 = tpu.memref_slice %arg2[%add3A_20] : memref<323584xi32, #tpu.memory_space<hbm>> -> memref<2528xi32, #tpu.memory_space<hbm>>
        tpu.wait_dma2 semaphore(%run_scoped3A : memref<!tpu.dma_semaphore, #tpu.memory_space<semaphore_mem>>) src(%dma_wait3A_30 : memref<2528xi32, #tpu.memory_space<hbm>>) dst(%arg6 : memref<2528xi32, #tpu.memory_space<vmem>>)
        tpu.yield
      }) : () -> ()
      "tpu.region"() ({
        %run_scoped3A = tpu.sem_alloc : memref<!tpu.dma_semaphore, #tpu.memory_space<semaphore_mem>>
        %dma_start3A = tpu.memref_slice %arg3[%add3A_20] : memref<323584xf32, #tpu.memory_space<hbm>> -> memref<2528xf32, #tpu.memory_space<hbm>>
        %dma_start3A_29 = tpu.memref_slice %arg3[%add3A_20] : memref<323584xf32, #tpu.memory_space<hbm>> -> memref<2528xf32, #tpu.memory_space<hbm>>
        tpu.enqueue_dma source(%dma_start3A_29 : memref<2528xf32, #tpu.memory_space<hbm>>) target(%arg7 : memref<2528xf32, #tpu.memory_space<vmem>>) target_semaphore(%run_scoped3A : memref<!tpu.dma_semaphore, #tpu.memory_space<semaphore_mem>>)
        %dma_wait3A = tpu.memref_slice %arg3[%add3A_20] : memref<323584xf32, #tpu.memory_space<hbm>> -> memref<2528xf32, #tpu.memory_space<hbm>>
        %dma_wait3A_30 = tpu.memref_slice %arg3[%add3A_20] : memref<323584xf32, #tpu.memory_space<hbm>> -> memref<2528xf32, #tpu.memory_space<hbm>>
        tpu.wait_dma2 semaphore(%run_scoped3A : memref<!tpu.dma_semaphore, #tpu.memory_space<semaphore_mem>>) src(%dma_wait3A_30 : memref<2528xf32, #tpu.memory_space<hbm>>) dst(%arg7 : memref<2528xf32, #tpu.memory_space<vmem>>)
        tpu.yield
      }) : () -> ()
      %scan3A_21 = arith.constant 0 : i32
      %scan3A_22 = arith.constant 0 : i32
      %scan3A_23 = arith.constant 158 : i32
      %scan3A_24 = arith.addi %scan3A_22, %scan3A_23 : i32
      %scan3A_25 = arith.constant 1 : i32
      %scan3A_26 = scf.for %scan3A_29 = %scan3A_22 to %scan3A_24 step %scan3A_25 iter_args(%scan3A_30 = %scan3A_21) -> (i32)  : i32 {
        %mul3A_31 = arith.constant 16 : i32
        %mul3A_32 = arith.muli %scan3A_29, %mul3A_31 : i32
        %get3A = arith.index_cast %mul3A_32 : i32 to index
        %get3A_33 = tpu.vector_load %arg6[%get3A] {strides = array<i32>} : memref<2528xi32, #tpu.memory_space<vmem>>, vector<16xi32>,
        %mul3A_34 = arith.constant 16 : i32
        %mul3A_35 = arith.muli %scan3A_29, %mul3A_34 : i32
        %get3A_36 = arith.index_cast %mul3A_35 : i32 to index
        %get3A_37 = tpu.vector_load %arg7[%get3A_36] {strides = array<i32>} : memref<2528xf32, #tpu.memory_space<vmem>>, vector<16xf32>,
        tpu.vector_store_idx %arg5[%get3A_33], %get3A_37 {add = true} : memref<10240xf32, #tpu.memory_space<vmem>>[vector<16xi32>], vector<16xf32>,
        %scan3A_38 = arith.constant 0 : i32
        scf.yield %scan3A_38 : i32
      }
      %scan3A_27 = arith.constant 158 : i32
      %scan3A_28 = arith.constant 0 : i32
      scf.yield %scan3A_28 : i32
    }
    %scan3A_15 = arith.constant 4 : i32
    "tpu.region"() ({
      %run_scoped3A = tpu.sem_alloc : memref<!tpu.dma_semaphore, #tpu.memory_space<semaphore_mem>>
      %dma_start3A = arith.constant 0 : i32
      %dma_start3A_16 = tpu.memref_slice %arg4[%add3A, %dma_start3A] : memref<32x10240xf32, #tpu.memory_space<hbm>> -> memref<1x10240xf32, #tpu.memory_space<hbm>>
      %dma_start3A_17 = tpu.memref_squeeze %dma_start3A_16 : memref<1x10240xf32, #tpu.memory_space<hbm>> -> memref<10240xf32, #tpu.memory_space<hbm>>
      %dma_start3A_18 = arith.constant 0 : i32
      %dma_start3A_19 = tpu.memref_slice %arg4[%add3A, %dma_start3A_18] : memref<32x10240xf32, #tpu.memory_space<hbm>> -> memref<1x10240xf32, #tpu.memory_space<hbm>>
      %dma_start3A_20 = tpu.memref_squeeze %dma_start3A_19 : memref<1x10240xf32, #tpu.memory_space<hbm>> -> memref<10240xf32, #tpu.memory_space<hbm>>
      tpu.enqueue_dma source(%arg5 : memref<10240xf32, #tpu.memory_space<vmem>>) target(%dma_start3A_20 : memref<10240xf32, #tpu.memory_space<hbm>>) target_semaphore(%run_scoped3A : memref<!tpu.dma_semaphore, #tpu.memory_space<semaphore_mem>>)
      %dma_wait3A = arith.constant 0 : i32
      %dma_wait3A_21 = tpu.memref_slice %arg4[%add3A, %dma_wait3A] : memref<32x10240xf32, #tpu.memory_space<hbm>> -> memref<1x10240xf32, #tpu.memory_space<hbm>>
      %dma_wait3A_22 = tpu.memref_squeeze %dma_wait3A_21 : memref<1x10240xf32, #tpu.memory_space<hbm>> -> memref<10240xf32, #tpu.memory_space<hbm>>
      %dma_wait3A_23 = arith.constant 0 : i32
      %dma_wait3A_24 = tpu.memref_slice %arg4[%add3A, %dma_wait3A_23] : memref<32x10240xf32, #tpu.memory_space<hbm>> -> memref<1x10240xf32, #tpu.memory_space<hbm>>
      %dma_wait3A_25 = tpu.memref_squeeze %dma_wait3A_24 : memref<1x10240xf32, #tpu.memory_space<hbm>> -> memref<10240xf32, #tpu.memory_space<hbm>>
      tpu.wait_dma2 semaphore(%run_scoped3A : memref<!tpu.dma_semaphore, #tpu.memory_space<semaphore_mem>>) src(%arg5 : memref<10240xf32, #tpu.memory_space<vmem>>) dst(%dma_wait3A_25 : memref<10240xf32, #tpu.memory_space<hbm>>)
      tpu.yield
    }) : () -> ()
    return
  }
}

#map = affine_map<(d0, d1) -> (0, 0)>
#map1 = affine_map<(d0, d1) -> (0)>
module attributes {stable_mosaic.version = 14 : i64} {
  func.func @_msgpass(%arg0: i32, %arg1: i32, %arg2: memref<32x40960xf32, #tpu.memory_space<hbm>>, %arg3: memref<323584xi32, #tpu.memory_space<hbm>>, %arg4: memref<323584xi32, #tpu.memory_space<hbm>>, %arg5: memref<323584xf32, #tpu.memory_space<hbm>>, %arg6: memref<32x40960xf32, #tpu.memory_space<hbm>>, %arg7: memref<40960xf32, #tpu.memory_space<vmem>>, %arg8: memref<40960xf32, #tpu.memory_space<vmem>>, %arg9: memref<2048xi32, #tpu.memory_space<vmem>>, %arg10: memref<2048xi32, #tpu.memory_space<vmem>>, %arg11: memref<2048xf32, #tpu.memory_space<vmem>>) attributes {dimension_semantics = [#tpu.dimension_semantics<core_parallel>, #tpu.dimension_semantics<subcore_parallel>], iteration_bounds = array<i64: 2, 16>, scalar_prefetch = 0 : i64, scratch_operands = 5 : i64, tpu.core_type = #tpu.core_type<sc_vector_subcore>, window_params = [{transform_indices = #map}, {transform_indices = #map1}, {transform_indices = #map1}, {transform_indices = #map1}, {transform_indices = #map}]} {
    %mul3A = arith.constant 2 : i32
    %mul3A_0 = arith.muli %arg1, %mul3A : i32
    %add3A = arith.addi %mul3A_0, %arg0 : i32
    "tpu.region"() ({
      %run_scoped3A = tpu.sem_alloc : memref<!tpu.dma_semaphore, #tpu.memory_space<semaphore_mem>>
      %dma_start3A = arith.constant 0 : i32
      %dma_start3A_14 = tpu.memref_slice %arg2[%add3A, %dma_start3A] : memref<32x40960xf32, #tpu.memory_space<hbm>> -> memref<1x40960xf32, #tpu.memory_space<hbm>>
      %dma_start3A_15 = tpu.memref_squeeze %dma_start3A_14 : memref<1x40960xf32, #tpu.memory_space<hbm>> -> memref<40960xf32, #tpu.memory_space<hbm>>
      %dma_start3A_16 = arith.constant 0 : i32
      %dma_start3A_17 = tpu.memref_slice %arg2[%add3A, %dma_start3A_16] : memref<32x40960xf32, #tpu.memory_space<hbm>> -> memref<1x40960xf32, #tpu.memory_space<hbm>>
      %dma_start3A_18 = tpu.memref_squeeze %dma_start3A_17 : memref<1x40960xf32, #tpu.memory_space<hbm>> -> memref<40960xf32, #tpu.memory_space<hbm>>
      tpu.enqueue_dma source(%dma_start3A_18 : memref<40960xf32, #tpu.memory_space<hbm>>) target(%arg7 : memref<40960xf32, #tpu.memory_space<vmem>>) target_semaphore(%run_scoped3A : memref<!tpu.dma_semaphore, #tpu.memory_space<semaphore_mem>>)
      %dma_wait3A = arith.constant 0 : i32
      %dma_wait3A_19 = tpu.memref_slice %arg2[%add3A, %dma_wait3A] : memref<32x40960xf32, #tpu.memory_space<hbm>> -> memref<1x40960xf32, #tpu.memory_space<hbm>>
      %dma_wait3A_20 = tpu.memref_squeeze %dma_wait3A_19 : memref<1x40960xf32, #tpu.memory_space<hbm>> -> memref<40960xf32, #tpu.memory_space<hbm>>
      %dma_wait3A_21 = arith.constant 0 : i32
      %dma_wait3A_22 = tpu.memref_slice %arg2[%add3A, %dma_wait3A_21] : memref<32x40960xf32, #tpu.memory_space<hbm>> -> memref<1x40960xf32, #tpu.memory_space<hbm>>
      %dma_wait3A_23 = tpu.memref_squeeze %dma_wait3A_22 : memref<1x40960xf32, #tpu.memory_space<hbm>> -> memref<40960xf32, #tpu.memory_space<hbm>>
      tpu.wait_dma2 semaphore(%run_scoped3A : memref<!tpu.dma_semaphore, #tpu.memory_space<semaphore_mem>>) src(%dma_wait3A_23 : memref<40960xf32, #tpu.memory_space<hbm>>) dst(%arg7 : memref<40960xf32, #tpu.memory_space<vmem>>)
      tpu.yield
    }) : () -> ()
    %scan3A = arith.constant 0 : i32
    %scan3A_1 = arith.constant 0 : i32
    %scan3A_2 = arith.constant 2560 : i32
    %scan3A_3 = arith.addi %scan3A_1, %scan3A_2 : i32
    %scan3A_4 = arith.constant 1 : i32
    %scan3A_5 = scf.for %scan3A_14 = %scan3A_1 to %scan3A_3 step %scan3A_4 iter_args(%scan3A_15 = %scan3A) -> (i32)  : i32 {
      %broadcast_in_dim3A = arith.constant 0.000000e+00 : f32
      %broadcast_in_dim3A_16 = vector.broadcast %broadcast_in_dim3A : f32 to vector<16xf32>
      %mul3A_17 = arith.constant 16 : i32
      %mul3A_18 = arith.muli %scan3A_14, %mul3A_17 : i32
      %swap3A = arith.index_cast %mul3A_18 : i32 to index
      %swap3A_19 = tpu.vector_load %arg8[%swap3A] {strides = array<i32>} : memref<40960xf32, #tpu.memory_space<vmem>>, vector<16xf32>,
      tpu.vector_store %arg8[%swap3A], %broadcast_in_dim3A_16 {strides = array<i32>} : memref<40960xf32, #tpu.memory_space<vmem>>, vector<16xf32>,
      %scan3A_20 = arith.constant 0 : i32
      scf.yield %scan3A_20 : i32
    }
    %scan3A_6 = arith.constant 2560 : i32
    %scan3A_7 = arith.constant 0 : i32
    %scan3A_8 = arith.constant 0 : i32
    %scan3A_9 = arith.constant 158 : i32
    %scan3A_10 = arith.addi %scan3A_8, %scan3A_9 : i32
    %scan3A_11 = arith.constant 1 : i32
    %scan3A_12 = scf.for %scan3A_14 = %scan3A_8 to %scan3A_10 step %scan3A_11 iter_args(%scan3A_15 = %scan3A_7) -> (i32)  : i32 {
      %mul3A_16 = arith.constant 2048 : i32
      %mul3A_17 = arith.muli %scan3A_14, %mul3A_16 : i32
      "tpu.region"() ({
        %run_scoped3A = tpu.sem_alloc : memref<!tpu.dma_semaphore, #tpu.memory_space<semaphore_mem>>
        %dma_start3A = tpu.memref_slice %arg3[%mul3A_17] : memref<323584xi32, #tpu.memory_space<hbm>> -> memref<2048xi32, #tpu.memory_space<hbm>>
        %dma_start3A_26 = tpu.memref_slice %arg3[%mul3A_17] : memref<323584xi32, #tpu.memory_space<hbm>> -> memref<2048xi32, #tpu.memory_space<hbm>>
        tpu.enqueue_dma source(%dma_start3A_26 : memref<2048xi32, #tpu.memory_space<hbm>>) target(%arg9 : memref<2048xi32, #tpu.memory_space<vmem>>) target_semaphore(%run_scoped3A : memref<!tpu.dma_semaphore, #tpu.memory_space<semaphore_mem>>)
        %dma_wait3A = tpu.memref_slice %arg3[%mul3A_17] : memref<323584xi32, #tpu.memory_space<hbm>> -> memref<2048xi32, #tpu.memory_space<hbm>>
        %dma_wait3A_27 = tpu.memref_slice %arg3[%mul3A_17] : memref<323584xi32, #tpu.memory_space<hbm>> -> memref<2048xi32, #tpu.memory_space<hbm>>
        tpu.wait_dma2 semaphore(%run_scoped3A : memref<!tpu.dma_semaphore, #tpu.memory_space<semaphore_mem>>) src(%dma_wait3A_27 : memref<2048xi32, #tpu.memory_space<hbm>>) dst(%arg9 : memref<2048xi32, #tpu.memory_space<vmem>>)
        tpu.yield
      }) : () -> ()
      "tpu.region"() ({
        %run_scoped3A = tpu.sem_alloc : memref<!tpu.dma_semaphore, #tpu.memory_space<semaphore_mem>>
        %dma_start3A = tpu.memref_slice %arg4[%mul3A_17] : memref<323584xi32, #tpu.memory_space<hbm>> -> memref<2048xi32, #tpu.memory_space<hbm>>
        %dma_start3A_26 = tpu.memref_slice %arg4[%mul3A_17] : memref<323584xi32, #tpu.memory_space<hbm>> -> memref<2048xi32, #tpu.memory_space<hbm>>
        tpu.enqueue_dma source(%dma_start3A_26 : memref<2048xi32, #tpu.memory_space<hbm>>) target(%arg10 : memref<2048xi32, #tpu.memory_space<vmem>>) target_semaphore(%run_scoped3A : memref<!tpu.dma_semaphore, #tpu.memory_space<semaphore_mem>>)
        %dma_wait3A = tpu.memref_slice %arg4[%mul3A_17] : memref<323584xi32, #tpu.memory_space<hbm>> -> memref<2048xi32, #tpu.memory_space<hbm>>
        %dma_wait3A_27 = tpu.memref_slice %arg4[%mul3A_17] : memref<323584xi32, #tpu.memory_space<hbm>> -> memref<2048xi32, #tpu.memory_space<hbm>>
        tpu.wait_dma2 semaphore(%run_scoped3A : memref<!tpu.dma_semaphore, #tpu.memory_space<semaphore_mem>>) src(%dma_wait3A_27 : memref<2048xi32, #tpu.memory_space<hbm>>) dst(%arg10 : memref<2048xi32, #tpu.memory_space<vmem>>)
        tpu.yield
      }) : () -> ()
      "tpu.region"() ({
        %run_scoped3A = tpu.sem_alloc : memref<!tpu.dma_semaphore, #tpu.memory_space<semaphore_mem>>
        %dma_start3A = tpu.memref_slice %arg5[%mul3A_17] : memref<323584xf32, #tpu.memory_space<hbm>> -> memref<2048xf32, #tpu.memory_space<hbm>>
        %dma_start3A_26 = tpu.memref_slice %arg5[%mul3A_17] : memref<323584xf32, #tpu.memory_space<hbm>> -> memref<2048xf32, #tpu.memory_space<hbm>>
        tpu.enqueue_dma source(%dma_start3A_26 : memref<2048xf32, #tpu.memory_space<hbm>>) target(%arg11 : memref<2048xf32, #tpu.memory_space<vmem>>) target_semaphore(%run_scoped3A : memref<!tpu.dma_semaphore, #tpu.memory_space<semaphore_mem>>)
        %dma_wait3A = tpu.memref_slice %arg5[%mul3A_17] : memref<323584xf32, #tpu.memory_space<hbm>> -> memref<2048xf32, #tpu.memory_space<hbm>>
        %dma_wait3A_27 = tpu.memref_slice %arg5[%mul3A_17] : memref<323584xf32, #tpu.memory_space<hbm>> -> memref<2048xf32, #tpu.memory_space<hbm>>
        tpu.wait_dma2 semaphore(%run_scoped3A : memref<!tpu.dma_semaphore, #tpu.memory_space<semaphore_mem>>) src(%dma_wait3A_27 : memref<2048xf32, #tpu.memory_space<hbm>>) dst(%arg11 : memref<2048xf32, #tpu.memory_space<vmem>>)
        tpu.yield
      }) : () -> ()
      %scan3A_18 = arith.constant 0 : i32
      %scan3A_19 = arith.constant 0 : i32
      %scan3A_20 = arith.constant 128 : i32
      %scan3A_21 = arith.addi %scan3A_19, %scan3A_20 : i32
      %scan3A_22 = arith.constant 1 : i32
      %scan3A_23 = scf.for %scan3A_26 = %scan3A_19 to %scan3A_21 step %scan3A_22 iter_args(%scan3A_27 = %scan3A_18) -> (i32)  : i32 {
        %mul3A_28 = arith.constant 16 : i32
        %mul3A_29 = arith.muli %scan3A_26, %mul3A_28 : i32
        %get3A = arith.index_cast %mul3A_29 : i32 to index
        %get3A_30 = tpu.vector_load %arg9[%get3A] {strides = array<i32>} : memref<2048xi32, #tpu.memory_space<vmem>>, vector<16xi32>,
        %shift_left3A = arith.constant 2 : i32
        %shift_left3A_31 = vector.broadcast %shift_left3A : i32 to vector<16xi32>
        %shift_left3A_32 = arith.shli %get3A_30, %shift_left3A_31 : vector<16xi32>
        %get3A_33 = arith.index_cast %mul3A_29 : i32 to index
        %get3A_34 = tpu.vector_load %arg10[%get3A_33] {strides = array<i32>} : memref<2048xi32, #tpu.memory_space<vmem>>, vector<16xi32>,
        %shift_left3A_35 = arith.constant 2 : i32
        %shift_left3A_36 = vector.broadcast %shift_left3A_35 : i32 to vector<16xi32>
        %shift_left3A_37 = arith.shli %get3A_34, %shift_left3A_36 : vector<16xi32>
        %get3A_38 = arith.index_cast %mul3A_29 : i32 to index
        %get3A_39 = tpu.vector_load %arg11[%get3A_38] {strides = array<i32>} : memref<2048xf32, #tpu.memory_space<vmem>>, vector<16xf32>,
        %add3A_40 = arith.constant 0 : i32
        %add3A_41 = vector.broadcast %add3A_40 : i32 to vector<16xi32>
        %add3A_42 = arith.addi %shift_left3A_32, %add3A_41 : vector<16xi32>
        %gather3A = tpu.vector_load_idx %arg7[%add3A_42] : memref<40960xf32, #tpu.memory_space<vmem>>[vector<16xi32>], vector<16xf32>,
        %add3A_43 = arith.constant 0 : i32
        %add3A_44 = vector.broadcast %add3A_43 : i32 to vector<16xi32>
        %add3A_45 = arith.addi %shift_left3A_37, %add3A_44 : vector<16xi32>
        %mul3A_46 = arith.mulf %gather3A, %get3A_39 : vector<16xf32>
        tpu.vector_store_idx %arg8[%add3A_45], %mul3A_46 {add = true} : memref<40960xf32, #tpu.memory_space<vmem>>[vector<16xi32>], vector<16xf32>,
        %add3A_47 = arith.constant 1 : i32
        %add3A_48 = vector.broadcast %add3A_47 : i32 to vector<16xi32>
        %add3A_49 = arith.addi %shift_left3A_32, %add3A_48 : vector<16xi32>
        %gather3A_50 = tpu.vector_load_idx %arg7[%add3A_49] : memref<40960xf32, #tpu.memory_space<vmem>>[vector<16xi32>], vector<16xf32>,
        %add3A_51 = arith.constant 1 : i32
        %add3A_52 = vector.broadcast %add3A_51 : i32 to vector<16xi32>
        %add3A_53 = arith.addi %shift_left3A_37, %add3A_52 : vector<16xi32>
        %mul3A_54 = arith.mulf %gather3A_50, %get3A_39 : vector<16xf32>
        tpu.vector_store_idx %arg8[%add3A_53], %mul3A_54 {add = true} : memref<40960xf32, #tpu.memory_space<vmem>>[vector<16xi32>], vector<16xf32>,
        %add3A_55 = arith.constant 2 : i32
        %add3A_56 = vector.broadcast %add3A_55 : i32 to vector<16xi32>
        %add3A_57 = arith.addi %shift_left3A_32, %add3A_56 : vector<16xi32>
        %gather3A_58 = tpu.vector_load_idx %arg7[%add3A_57] : memref<40960xf32, #tpu.memory_space<vmem>>[vector<16xi32>], vector<16xf32>,
        %add3A_59 = arith.constant 2 : i32
        %add3A_60 = vector.broadcast %add3A_59 : i32 to vector<16xi32>
        %add3A_61 = arith.addi %shift_left3A_37, %add3A_60 : vector<16xi32>
        %mul3A_62 = arith.mulf %gather3A_58, %get3A_39 : vector<16xf32>
        tpu.vector_store_idx %arg8[%add3A_61], %mul3A_62 {add = true} : memref<40960xf32, #tpu.memory_space<vmem>>[vector<16xi32>], vector<16xf32>,
        %add3A_63 = arith.constant 3 : i32
        %add3A_64 = vector.broadcast %add3A_63 : i32 to vector<16xi32>
        %add3A_65 = arith.addi %shift_left3A_32, %add3A_64 : vector<16xi32>
        %gather3A_66 = tpu.vector_load_idx %arg7[%add3A_65] : memref<40960xf32, #tpu.memory_space<vmem>>[vector<16xi32>], vector<16xf32>,
        %add3A_67 = arith.constant 3 : i32
        %add3A_68 = vector.broadcast %add3A_67 : i32 to vector<16xi32>
        %add3A_69 = arith.addi %shift_left3A_37, %add3A_68 : vector<16xi32>
        %mul3A_70 = arith.mulf %gather3A_66, %get3A_39 : vector<16xf32>
        tpu.vector_store_idx %arg8[%add3A_69], %mul3A_70 {add = true} : memref<40960xf32, #tpu.memory_space<vmem>>[vector<16xi32>], vector<16xf32>,
        %scan3A_71 = arith.constant 0 : i32
        scf.yield %scan3A_71 : i32
      }
      %scan3A_24 = arith.constant 128 : i32
      %scan3A_25 = arith.constant 0 : i32
      scf.yield %scan3A_25 : i32
    }
    %scan3A_13 = arith.constant 158 : i32
    "tpu.region"() ({
      %run_scoped3A = tpu.sem_alloc : memref<!tpu.dma_semaphore, #tpu.memory_space<semaphore_mem>>
      %dma_start3A = arith.constant 0 : i32
      %dma_start3A_14 = tpu.memref_slice %arg6[%add3A, %dma_start3A] : memref<32x40960xf32, #tpu.memory_space<hbm>> -> memref<1x40960xf32, #tpu.memory_space<hbm>>
      %dma_start3A_15 = tpu.memref_squeeze %dma_start3A_14 : memref<1x40960xf32, #tpu.memory_space<hbm>> -> memref<40960xf32, #tpu.memory_space<hbm>>
      %dma_start3A_16 = arith.constant 0 : i32
      %dma_start3A_17 = tpu.memref_slice %arg6[%add3A, %dma_start3A_16] : memref<32x40960xf32, #tpu.memory_space<hbm>> -> memref<1x40960xf32, #tpu.memory_space<hbm>>
      %dma_start3A_18 = tpu.memref_squeeze %dma_start3A_17 : memref<1x40960xf32, #tpu.memory_space<hbm>> -> memref<40960xf32, #tpu.memory_space<hbm>>
      tpu.enqueue_dma source(%arg8 : memref<40960xf32, #tpu.memory_space<vmem>>) target(%dma_start3A_18 : memref<40960xf32, #tpu.memory_space<hbm>>) target_semaphore(%run_scoped3A : memref<!tpu.dma_semaphore, #tpu.memory_space<semaphore_mem>>)
      %dma_wait3A = arith.constant 0 : i32
      %dma_wait3A_19 = tpu.memref_slice %arg6[%add3A, %dma_wait3A] : memref<32x40960xf32, #tpu.memory_space<hbm>> -> memref<1x40960xf32, #tpu.memory_space<hbm>>
      %dma_wait3A_20 = tpu.memref_squeeze %dma_wait3A_19 : memref<1x40960xf32, #tpu.memory_space<hbm>> -> memref<40960xf32, #tpu.memory_space<hbm>>
      %dma_wait3A_21 = arith.constant 0 : i32
      %dma_wait3A_22 = tpu.memref_slice %arg6[%add3A, %dma_wait3A_21] : memref<32x40960xf32, #tpu.memory_space<hbm>> -> memref<1x40960xf32, #tpu.memory_space<hbm>>
      %dma_wait3A_23 = tpu.memref_squeeze %dma_wait3A_22 : memref<1x40960xf32, #tpu.memory_space<hbm>> -> memref<40960xf32, #tpu.memory_space<hbm>>
      tpu.wait_dma2 semaphore(%run_scoped3A : memref<!tpu.dma_semaphore, #tpu.memory_space<semaphore_mem>>) src(%arg8 : memref<40960xf32, #tpu.memory_space<vmem>>) dst(%dma_wait3A_23 : memref<40960xf32, #tpu.memory_space<hbm>>)
      tpu.yield
    }) : () -> ()
    return
  }
}

module attributes {stable_mosaic.version = 14 : i64} {
  func.func @_prep_body(%arg0: memref<32x80x128xf32, #tpu.memory_space<vmem>>, %arg1: memref<80x128xf32, #tpu.memory_space<vmem>>) attributes {dimension_semantics = [], scalar_prefetch = 0 : i64, scratch_operands = 0 : i64, tpu.core_type = #tpu.core_type<tc>} {
    %get3A = arith.constant 0 : index
    %get3A_0 = arith.constant 0 : index
    %get3A_1 = arith.constant 0 : index
    %get3A_2 = vector.load %arg0[%get3A, %get3A_0, %get3A_1] : memref<32x80x128xf32, #tpu.memory_space<vmem>>, vector<32x80x128xf32>
    %reduce_sum3A = arith.constant dense<0.000000e+00> : vector<80x128xf32>
    %reduce_sum3A_3 = vector.multi_reduction <add>, %get3A_2, %reduce_sum3A [0] : vector<32x80x128xf32> to vector<80x128xf32>
    %add3A = arith.constant 1.000000e+00 : f32
    %add3A_4 = vector.broadcast %add3A : f32 to vector<80x128xf32>
    %add3A_5 = arith.addf %add3A_4, %reduce_sum3A_3 : vector<80x128xf32>
    %gt3A = arith.constant 0.000000e+00 : f32
    %gt3A_6 = vector.broadcast %gt3A : f32 to vector<80x128xf32>
    %gt3A_7 = arith.cmpf ogt, %add3A_5, %gt3A_6 : vector<80x128xf32>
    %max3A = arith.constant 1.000000e-30 : f32
    %max3A_8 = vector.broadcast %max3A : f32 to vector<80x128xf32>
    %max3A_9 = arith.maximumf %add3A_5, %max3A_8 : vector<80x128xf32>
    %rsqrt3A = math.rsqrt %max3A_9 : vector<80x128xf32>
    %jit3A = arith.constant 0.000000e+00 : f32
    %broadcast_in_dim3A = vector.broadcast %jit3A : f32 to vector<80x128xf32>
    %select_n3A = arith.select %gt3A_7, %rsqrt3A, %broadcast_in_dim3A : vector<80x128xi1>, vector<80x128xf32>
    %swap3A = arith.constant 0 : index
    %swap3A_10 = arith.constant 0 : index
    %swap3A_11 = vector.load %arg1[%swap3A, %swap3A_10] : memref<80x128xf32, #tpu.memory_space<vmem>>, vector<80x128xf32>
    tpu.vector_store %arg1[%swap3A, %swap3A_10], %select_n3A {strides = array<i32>} : memref<80x128xf32, #tpu.memory_space<vmem>>, vector<80x128xf32>,
    return
  }
}

module attributes {stable_mosaic.version = 14 : i64} {
  func.func @_mm1_body(%arg0: i32, %arg1: memref<256x1152xf32, #tpu.memory_space<vmem>>, %arg2: memref<1152x128xf32, #tpu.memory_space<vmem>>, %arg3: memref<256x128xf32, #tpu.memory_space<vmem>>, %arg4: memref<256x128xf32, #tpu.memory_space<vmem>>, %arg5: memref<256x128xf32, #tpu.memory_space<vmem>>) attributes {dimension_semantics = [#tpu.dimension_semantics<arbitrary>], iteration_bounds = array<i64: 40>, scalar_prefetch = 0 : i64, scratch_operands = 0 : i64, tpu.core_type = #tpu.core_type<tc>, window_params = [{transform_indices = @transform_0, window_bounds = array<i64: 256, 1152>}, {pipeline_mode = #tpu.pipeline_mode<synchronous>, transform_indices = @transform_1, window_bounds = array<i64: 1152, 128>}, {transform_indices = @transform_2, window_bounds = array<i64: 256, 128>}, {transform_indices = @transform_3, window_bounds = array<i64: 256, 128>}, {transform_indices = @transform_4, window_bounds = array<i64: 256, 128>}]} {
    %get3A = arith.constant 0 : index
    %get3A_0 = arith.constant 0 : index
    %get3A_1 = vector.load %arg1[%get3A, %get3A_0] : memref<256x1152xf32, #tpu.memory_space<vmem>>, vector<256x1152xf32>
    %get3A_2 = arith.constant 0 : index
    %get3A_3 = arith.constant 0 : index
    %get3A_4 = vector.load %arg2[%get3A_2, %get3A_3] : memref<1152x128xf32, #tpu.memory_space<vmem>>, vector<1152x128xf32>
    %dot_general3A = arith.constant dense<0.000000e+00> : vector<256x128xf32>
    %dot_general3A_5 = tpu.matmul %get3A_1, %get3A_4, %dot_general3A {dimension_numbers = #tpu.dot_dimension_numbers<[1], [0], [0], [1], [0, 0, 1, 1], [], []>, transpose_lhs_hint = false} : vector<256x1152xf32>, vector<1152x128xf32>, vector<256x128xf32> -> vector<256x128xf32>
    %get3A_6 = arith.constant 0 : index
    %get3A_7 = arith.constant 0 : index
    %get3A_8 = vector.load %arg3[%get3A_6, %get3A_7] : memref<256x128xf32, #tpu.memory_space<vmem>>, vector<256x128xf32>
    %mul3A = arith.mulf %dot_general3A_5, %get3A_8 : vector<256x128xf32>
    %swap3A = arith.constant 0 : index
    %swap3A_9 = arith.constant 0 : index
    %swap3A_10 = vector.load %arg4[%swap3A, %swap3A_9] : memref<256x128xf32, #tpu.memory_space<vmem>>, vector<256x128xf32>
    tpu.vector_store %arg4[%swap3A, %swap3A_9], %mul3A {strides = array<i32>} : memref<256x128xf32, #tpu.memory_space<vmem>>, vector<256x128xf32>,
    %mul3A_11 = arith.mulf %mul3A, %get3A_8 : vector<256x128xf32>
    %swap3A_12 = arith.constant 0 : index
    %swap3A_13 = arith.constant 0 : index
    %swap3A_14 = vector.load %arg5[%swap3A_12, %swap3A_13] : memref<256x128xf32, #tpu.memory_space<vmem>>, vector<256x128xf32>
    tpu.vector_store %arg5[%swap3A_12, %swap3A_13], %mul3A_11 {strides = array<i32>} : memref<256x128xf32, #tpu.memory_space<vmem>>, vector<256x128xf32>,
    return
  }
  func.func @transform_0(%arg0: i32) -> (i32, i32) {
    %c0_i32 = arith.constant 0 : i32
    %c0_i32_0 = arith.constant 0 : i32
    return %arg0, %c0_i32 : i32, i32
  }
  func.func @transform_1(%arg0: i32) -> (i32, i32) {
    %c0_i32 = arith.constant 0 : i32
    %c0_i32_0 = arith.constant 0 : i32
    %c0_i32_1 = arith.constant 0 : i32
    return %c0_i32, %c0_i32_0 : i32, i32
  }
  func.func @transform_2(%arg0: i32) -> (i32, i32) {
    %c0_i32 = arith.constant 0 : i32
    %c0_i32_0 = arith.constant 0 : i32
    return %arg0, %c0_i32 : i32, i32
  }
  func.func @transform_3(%arg0: i32) -> (i32, i32) {
    %c0_i32 = arith.constant 0 : i32
    %c0_i32_0 = arith.constant 0 : i32
    return %arg0, %c0_i32 : i32, i32
  }
  func.func @transform_4(%arg0: i32) -> (i32, i32) {
    %c0_i32 = arith.constant 0 : i32
    %c0_i32_0 = arith.constant 0 : i32
    return %arg0, %c0_i32 : i32, i32
  }
}

module attributes {stable_mosaic.version = 14 : i64} {
  func.func @_mm2_body(%arg0: i32, %arg1: memref<256x128xf32, #tpu.memory_space<vmem>>, %arg2: memref<256x128xf32, #tpu.memory_space<vmem>>, %arg3: memref<1x128xf32, #tpu.memory_space<vmem>>, %arg4: memref<128x128xf32, #tpu.memory_space<vmem>>, %arg5: memref<256x128xf32, #tpu.memory_space<vmem>>, %arg6: memref<256x128xf32, #tpu.memory_space<vmem>>, %arg7: memref<256x128xf32, #tpu.memory_space<vmem>>) attributes {dimension_semantics = [#tpu.dimension_semantics<arbitrary>], iteration_bounds = array<i64: 40>, scalar_prefetch = 0 : i64, scratch_operands = 0 : i64, tpu.core_type = #tpu.core_type<tc>, window_params = [{transform_indices = @transform_0, window_bounds = array<i64: 256, 128>}, {transform_indices = @transform_1, window_bounds = array<i64: 256, 128>}, {pipeline_mode = #tpu.pipeline_mode<synchronous>, transform_indices = @transform_2, window_bounds = array<i64: 1, 128>}, {pipeline_mode = #tpu.pipeline_mode<synchronous>, transform_indices = @transform_3, window_bounds = array<i64: 128, 128>}, {transform_indices = @transform_4, window_bounds = array<i64: 256, 128>}, {transform_indices = @transform_5, window_bounds = array<i64: 256, 128>}, {transform_indices = @transform_6, window_bounds = array<i64: 256, 128>}]} {
    %get3A = arith.constant 0 : index
    %get3A_0 = arith.constant 0 : index
    %get3A_1 = vector.load %arg5[%get3A, %get3A_0] : memref<256x128xf32, #tpu.memory_space<vmem>>, vector<256x128xf32>
    %get3A_2 = arith.constant 0 : index
    %get3A_3 = arith.constant 0 : index
    %get3A_4 = vector.load %arg1[%get3A_2, %get3A_3] : memref<256x128xf32, #tpu.memory_space<vmem>>, vector<256x128xf32>
    %mul3A = arith.mulf %get3A_1, %get3A_4 : vector<256x128xf32>
    %get3A_5 = arith.constant 0 : index
    %get3A_6 = arith.constant 0 : index
    %get3A_7 = vector.load %arg2[%get3A_5, %get3A_6] : memref<256x128xf32, #tpu.memory_space<vmem>>, vector<256x128xf32>
    %add3A = arith.addf %mul3A, %get3A_7 : vector<256x128xf32>
    %get3A_8 = arith.constant 0 : index
    %get3A_9 = arith.constant 0 : index
    %get3A_10 = vector.load %arg3[%get3A_8, %get3A_9] : memref<1x128xf32, #tpu.memory_space<vmem>>, vector<1x128xf32>
    %add3A_11 = vector.broadcast %get3A_10 : vector<1x128xf32> to vector<256x128xf32>
    %add3A_12 = arith.addf %add3A, %add3A_11 : vector<256x128xf32>
    %max3A = arith.constant 0.000000e+00 : f32
    %max3A_13 = vector.broadcast %max3A : f32 to vector<256x128xf32>
    %max3A_14 = arith.maximumf %add3A_12, %max3A_13 : vector<256x128xf32>
    %get3A_15 = arith.constant 0 : index
    %get3A_16 = arith.constant 0 : index
    %get3A_17 = vector.load %arg4[%get3A_15, %get3A_16] : memref<128x128xf32, #tpu.memory_space<vmem>>, vector<128x128xf32>
    %dot_general3A = arith.constant dense<0.000000e+00> : vector<256x128xf32>
    %dot_general3A_18 = tpu.matmul %max3A_14, %get3A_17, %dot_general3A {dimension_numbers = #tpu.dot_dimension_numbers<[1], [0], [0], [1], [0, 0, 1, 1], [], []>, transpose_lhs_hint = false} : vector<256x128xf32>, vector<128x128xf32>, vector<256x128xf32> -> vector<256x128xf32>
    %mul3A_19 = arith.mulf %dot_general3A_18, %get3A_1 : vector<256x128xf32>
    %swap3A = arith.constant 0 : index
    %swap3A_20 = arith.constant 0 : index
    %swap3A_21 = vector.load %arg6[%swap3A, %swap3A_20] : memref<256x128xf32, #tpu.memory_space<vmem>>, vector<256x128xf32>
    tpu.vector_store %arg6[%swap3A, %swap3A_20], %mul3A_19 {strides = array<i32>} : memref<256x128xf32, #tpu.memory_space<vmem>>, vector<256x128xf32>,
    %mul3A_22 = arith.mulf %mul3A_19, %get3A_1 : vector<256x128xf32>
    %swap3A_23 = arith.constant 0 : index
    %swap3A_24 = arith.constant 0 : index
    %swap3A_25 = vector.load %arg7[%swap3A_23, %swap3A_24] : memref<256x128xf32, #tpu.memory_space<vmem>>, vector<256x128xf32>
    tpu.vector_store %arg7[%swap3A_23, %swap3A_24], %mul3A_22 {strides = array<i32>} : memref<256x128xf32, #tpu.memory_space<vmem>>, vector<256x128xf32>,
    return
  }
  func.func @transform_0(%arg0: i32) -> (i32, i32) {
    %c0_i32 = arith.constant 0 : i32
    %c0_i32_0 = arith.constant 0 : i32
    return %arg0, %c0_i32 : i32, i32
  }
  func.func @transform_1(%arg0: i32) -> (i32, i32) {
    %c0_i32 = arith.constant 0 : i32
    %c0_i32_0 = arith.constant 0 : i32
    return %arg0, %c0_i32 : i32, i32
  }
  func.func @transform_2(%arg0: i32) -> (i32, i32) {
    %c0_i32 = arith.constant 0 : i32
    %c0_i32_0 = arith.constant 0 : i32
    %c0_i32_1 = arith.constant 0 : i32
    return %c0_i32, %c0_i32_0 : i32, i32
  }
  func.func @transform_3(%arg0: i32) -> (i32, i32) {
    %c0_i32 = arith.constant 0 : i32
    %c0_i32_0 = arith.constant 0 : i32
    %c0_i32_1 = arith.constant 0 : i32
    return %c0_i32, %c0_i32_0 : i32, i32
  }
  func.func @transform_4(%arg0: i32) -> (i32, i32) {
    %c0_i32 = arith.constant 0 : i32
    %c0_i32_0 = arith.constant 0 : i32
    return %arg0, %c0_i32 : i32, i32
  }
  func.func @transform_5(%arg0: i32) -> (i32, i32) {
    %c0_i32 = arith.constant 0 : i32
    %c0_i32_0 = arith.constant 0 : i32
    return %arg0, %c0_i32 : i32, i32
  }
  func.func @transform_6(%arg0: i32) -> (i32, i32) {
    %c0_i32 = arith.constant 0 : i32
    %c0_i32_0 = arith.constant 0 : i32
    return %arg0, %c0_i32 : i32, i32
  }
}

module attributes {stable_mosaic.version = 14 : i64} {
  func.func @_mm3_body(%arg0: i32, %arg1: memref<256x128xf32, #tpu.memory_space<vmem>>, %arg2: memref<256x128xf32, #tpu.memory_space<vmem>>, %arg3: memref<1x128xf32, #tpu.memory_space<vmem>>, %arg4: memref<128x64xf32, #tpu.memory_space<vmem>>, %arg5: memref<1x64xf32, #tpu.memory_space<vmem>>, %arg6: memref<256x128xf32, #tpu.memory_space<vmem>>, %arg7: memref<256x64xf32, #tpu.memory_space<vmem>>) attributes {dimension_semantics = [#tpu.dimension_semantics<arbitrary>], iteration_bounds = array<i64: 40>, scalar_prefetch = 0 : i64, scratch_operands = 0 : i64, tpu.core_type = #tpu.core_type<tc>, window_params = [{transform_indices = @transform_0, window_bounds = array<i64: 256, 128>}, {transform_indices = @transform_1, window_bounds = array<i64: 256, 128>}, {pipeline_mode = #tpu.pipeline_mode<synchronous>, transform_indices = @transform_2, window_bounds = array<i64: 1, 128>}, {pipeline_mode = #tpu.pipeline_mode<synchronous>, transform_indices = @transform_3, window_bounds = array<i64: 128, 64>}, {pipeline_mode = #tpu.pipeline_mode<synchronous>, transform_indices = @transform_4, window_bounds = array<i64: 1, 64>}, {transform_indices = @transform_5, window_bounds = array<i64: 256, 128>}, {transform_indices = @transform_6, window_bounds = array<i64: 256, 64>}]} {
    %get3A = arith.constant 0 : index
    %get3A_0 = arith.constant 0 : index
    %get3A_1 = vector.load %arg6[%get3A, %get3A_0] : memref<256x128xf32, #tpu.memory_space<vmem>>, vector<256x128xf32>
    %get3A_2 = arith.constant 0 : index
    %get3A_3 = arith.constant 0 : index
    %get3A_4 = vector.load %arg1[%get3A_2, %get3A_3] : memref<256x128xf32, #tpu.memory_space<vmem>>, vector<256x128xf32>
    %mul3A = arith.mulf %get3A_1, %get3A_4 : vector<256x128xf32>
    %get3A_5 = arith.constant 0 : index
    %get3A_6 = arith.constant 0 : index
    %get3A_7 = vector.load %arg2[%get3A_5, %get3A_6] : memref<256x128xf32, #tpu.memory_space<vmem>>, vector<256x128xf32>
    %add3A = arith.addf %mul3A, %get3A_7 : vector<256x128xf32>
    %get3A_8 = arith.constant 0 : index
    %get3A_9 = arith.constant 0 : index
    %get3A_10 = vector.load %arg3[%get3A_8, %get3A_9] : memref<1x128xf32, #tpu.memory_space<vmem>>, vector<1x128xf32>
    %add3A_11 = vector.broadcast %get3A_10 : vector<1x128xf32> to vector<256x128xf32>
    %add3A_12 = arith.addf %add3A, %add3A_11 : vector<256x128xf32>
    %max3A = arith.constant 0.000000e+00 : f32
    %max3A_13 = vector.broadcast %max3A : f32 to vector<256x128xf32>
    %max3A_14 = arith.maximumf %add3A_12, %max3A_13 : vector<256x128xf32>
    %get3A_15 = arith.constant 0 : index
    %get3A_16 = arith.constant 0 : index
    %get3A_17 = vector.load %arg4[%get3A_15, %get3A_16] : memref<128x64xf32, #tpu.memory_space<vmem>>, vector<128x64xf32>
    %dot_general3A = arith.constant dense<0.000000e+00> : vector<256x64xf32>
    %dot_general3A_18 = tpu.matmul %max3A_14, %get3A_17, %dot_general3A {dimension_numbers = #tpu.dot_dimension_numbers<[1], [0], [0], [1], [0, 0, 1, 1], [], []>, transpose_lhs_hint = false} : vector<256x128xf32>, vector<128x64xf32>, vector<256x64xf32> -> vector<256x64xf32>
    %get3A_19 = arith.constant 0 : index
    %get3A_20 = arith.constant 0 : index
    %get3A_21 = vector.load %arg5[%get3A_19, %get3A_20] : memref<1x64xf32, #tpu.memory_space<vmem>>, vector<1x64xf32>
    %add3A_22 = vector.broadcast %get3A_21 : vector<1x64xf32> to vector<256x64xf32>
    %add3A_23 = arith.addf %dot_general3A_18, %add3A_22 : vector<256x64xf32>
    %swap3A = arith.constant 0 : index
    %swap3A_24 = arith.constant 0 : index
    %swap3A_25 = vector.load %arg7[%swap3A, %swap3A_24] : memref<256x64xf32, #tpu.memory_space<vmem>>, vector<256x64xf32>
    tpu.vector_store %arg7[%swap3A, %swap3A_24], %add3A_23 {strides = array<i32>} : memref<256x64xf32, #tpu.memory_space<vmem>>, vector<256x64xf32>,
    return
  }
  func.func @transform_0(%arg0: i32) -> (i32, i32) {
    %c0_i32 = arith.constant 0 : i32
    %c0_i32_0 = arith.constant 0 : i32
    return %arg0, %c0_i32 : i32, i32
  }
  func.func @transform_1(%arg0: i32) -> (i32, i32) {
    %c0_i32 = arith.constant 0 : i32
    %c0_i32_0 = arith.constant 0 : i32
    return %arg0, %c0_i32 : i32, i32
  }
  func.func @transform_2(%arg0: i32) -> (i32, i32) {
    %c0_i32 = arith.constant 0 : i32
    %c0_i32_0 = arith.constant 0 : i32
    %c0_i32_1 = arith.constant 0 : i32
    return %c0_i32, %c0_i32_0 : i32, i32
  }
  func.func @transform_3(%arg0: i32) -> (i32, i32) {
    %c0_i32 = arith.constant 0 : i32
    %c0_i32_0 = arith.constant 0 : i32
    %c0_i32_1 = arith.constant 0 : i32
    return %c0_i32, %c0_i32_0 : i32, i32
  }
  func.func @transform_4(%arg0: i32) -> (i32, i32) {
    %c0_i32 = arith.constant 0 : i32
    %c0_i32_0 = arith.constant 0 : i32
    %c0_i32_1 = arith.constant 0 : i32
    return %c0_i32, %c0_i32_0 : i32, i32
  }
  func.func @transform_5(%arg0: i32) -> (i32, i32) {
    %c0_i32 = arith.constant 0 : i32
    %c0_i32_0 = arith.constant 0 : i32
    return %arg0, %c0_i32 : i32, i32
  }
  func.func @transform_6(%arg0: i32) -> (i32, i32) {
    %c0_i32 = arith.constant 0 : i32
    %c0_i32_0 = arith.constant 0 : i32
    return %arg0, %c0_i32 : i32, i32
  }
}

</mosaic_0001>

<sc_bundles>
// kernel: kernel.10.cloned.1.call-start
scs
__scs_entry_jumppad:
0x0: {  	(pc) =	sbr.rel $0x88, $3  }
0x1: {  	(tag) =	ssettag $0x0;
	lr =	simm.s32 $0x1  }
0x2: {  	[smem:$0x3F96] =	sst lr;
	_ =	strace $0xD0000000  }
0x3: {  	_ = 	snop  }
0x4: {  	_ = 	snop  }
0x5: {  	_ = 	snop  }
0x6: {  	_ = 	snop  }
0x7: {  	_ = 	snop  }
__scs_overlays_trampoline_lowered:
0x8: {  	[smem:$0x3FA5] =	sst s0  }
0x9: {  	[smem:$0x3FA6] =	sst s1  }
0xa: {  	[smem:$0x3FA7] =	sst s2  }
0xb: {  	[smem:$0x3FA8] =	sst s3  }
0xc: {  	[smem:$0x3FA9] =	sst s4  }
0xd: {  	[smem:$0x3FAA] =	sst s5  }
0xe: {  	[smem:$0x3FAB] =	sst s6  }
0xf: {  	[smem:$0x3FAC] =	sst s7  }
0x10: {  	[smem:$0x3FAD] =	sst s8  }
0x11: {  	[smem:$0x3FAE] =	sst s9;
	s0 =	simm.s32 @!p0 $0x0  }
0x12: {  	s1 =	sld [smem:$0x3F94];
	s0 =	simm.s32 @p0 $0x1  }
0x13: {  	[smem:$0x3FAF] =	sst s0;
	s0 =	simm.s32 @!p1 $0x0  }
0x14: {  	s2 =	sld [smem:$0x3F93];
	s0 =	simm.s32 @p1 $0x1  }
0x15: {  	[smem:$0x3FB0] =	sst s0;
	s0 =	simm.s32 @!p2 $0x0  }
0x16: {  	s3 =	sld [smem:$0x3FDB];
	s0 =	simm.s32 @p2 $0x1  }
0x17: {  	s4 =	simm.s32 $0x1BF5;
	[smem:$0x3FB2] =	sst s0  }
0x18: {  	s0 =	sld [smem:$0x3F95];
	_ =	swait.ge [sflag:s4], $0x0  }
0x19: {  	s7 =	sld [smem:$0x3F96]  }
0x1a: {  	s8 =	sadd.s32 $0xFFFFE003, lr  }
0x1b: {  	s9 =	sadd.s32 $0xFFFFFEF7, lr;
	s5 =	simm.s32 $0xFFFFFFFF;
	p2 =	slt.u32 s8, $0xFFFFF086  }
0x1c: {  	p1 =	slt.u32 s9, $0xF7A;
	s5 =	simm.s32 @!p2 $0x0  }
0x1d: {  	s5 =	simm.s32 @p1 $0x1;
	p0 =	seq.s32 s7, s2  }
0x1e: {  	s7 =	smul.u32 @!p0 $0xF7A, s2;
	p2 =	seq.s32 @!p0 s5, $0x0  }
0x1f: {  	s9 =	smul.u32 $0xF7A, s1;
	s8 =	simm.s32 @!p0 $0x1BF5;
	p2 =	por !p2, p0  }
0x20: {  	[sflag:s8] =	ssyncset.s32 @!p0 $0xFFFFF086;
	s6 =	sadd.s32 @!p0 s3, s7;
	s7 =	simm.s32 @!p0 $0x108  }
0x21: {  	s3 =	sadd.s32 s3, s9;
	s6 =	sadd.s32 @!p0 $0x88, s6;
	s7 =	simm.s32 @p2 $0x1082  }
0x22: {  	[simem:s7], [sflag:s8] =	dma.local @!p0 [hbm:s6], $0xF7A  }
0x23: {  	s9 =	sor.u32 $0xD0000000, s2;
	s6 =	simm.s32 $0x108;
	_ =	swait.ge @!p0 [sflag:s8], $0x0  }
0x24: {  	s3 =	sadd.s32 $0x88, s3;
	s6 =	simm.s32 @!p1 $0x1082;
	[sflag:s4] =	ssyncset.s32 $0xFFFFF086  }
0x25: {  	[simem:s6], [sflag:s4] =	dma.local [hbm:s3], $0xF7A  }
0x26: {  	[smem:$0x3F96] =	sst s1;
	(tag) =	ssettag s2;
	_ =	strace s9  }
0x27: {  	s1 =	sld [smem:$0x3FA6]  }
0x28: {  	s2 =	sld [smem:$0x3FA7]  }
0x29: {  	s4 =	sld [smem:$0x3FA9]  }
0x2a: {  	p0 =	seq.s32 s5, $0x0;
	s5 =	sld [smem:$0x3FAA]  }
0x2b: {  	s6 =	sld [smem:$0x3FAB]  }
0x2c: {  	s7 =	sld [smem:$0x3FAC]  }
0x2d: {  	s3 =	simm.s32 $0x108;
	s8 =	sld [smem:$0x3FAD]  }
0x2e: {  	s3 =	simm.s32 @!p0 $0x1082;
	s9 =	sld [smem:$0x3FAE]  }
0x2f: {  	lr =	sadd.s32 s0, s3;
	s0 =	sld [smem:$0x3FA5]  }
0x30: {  	s3 =	sld [smem:$0x3FA8]  }
0x31: {  	[smem:$0x3FB1] =	sst s10  }
0x32: {  	s10 =	sld [smem:$0x3FAF];
	_ =	sdelay $0x3  }
0x33: {  	p0 =	seq.s32 s10, $0x1;
	s10 =	sld [smem:$0x3FB1];
	_ =	sdelay $0x3  }
0x34: {  	[smem:$0x3FB1] =	sst s10  }
0x35: {  	s10 =	sld [smem:$0x3FB0];
	_ =	sdelay $0x3  }
0x36: {  	p1 =	seq.s32 s10, $0x1;
	s10 =	sld [smem:$0x3FB1];
	_ =	sdelay $0x3  }
0x37: {  	[smem:$0x3FB1] =	sst s10  }
0x38: {  	s10 =	sld [smem:$0x3FB2]  }
0x39: {  	_ = 	snop;
	(pc) =	sbr.ind lr, $3  }
0x3a: {  	_ = 	snop  }
0x3b: {  	_ = 	snop  }
0x3c: {  	p2 =	seq.s32 s10, $0x1;
	s10 =	sld [smem:$0x3FB1]  }
0x3d: {  	_ =	shalt  }
0x3e: {  	_ =	shalt  }
0x3f: {  	_ =	shalt  }
0x40: {  	_ =	shalt  }
0x41: {  	_ =	shalt  }
0x42: {  	_ =	shalt  }
0x43: {  	_ =	shalt  }
0x44: {  	_ =	shalt  }
0x45: {  	_ =	shalt  }
0x46: {  	_ =	shalt  }
0x47: {  	_ =	shalt  }
0x48: {  	_ =	shalt  }
0x49: {  	_ =	shalt  }
0x4a: {  	_ =	shalt  }
0x4b: {  	_ =	shalt  }
0x4c: {  	_ =	shalt  }
0x4d: {  	_ =	shalt  }
0x4e: {  	_ =	shalt  }
0x4f: {  	_ =	shalt  }
0x50: {  	_ =	shalt  }
0x51: {  	_ =	shalt  }
0x52: {  	_ =	shalt  }
0x53: {  	_ =	shalt  }
0x54: {  	_ =	shalt  }
0x55: {  	_ =	shalt  }
0x56: {  	_ =	shalt  }
0x57: {  	_ =	shalt  }
0x58: {  	_ =	shalt  }
0x59: {  	_ =	shalt  }
0x5a: {  	_ =	shalt  }
0x5b: {  	_ =	shalt  }
0x5c: {  	_ =	shalt  }
0x5d: {  	_ =	shalt  }
0x5e: {  	_ =	shalt  }
0x5f: {  	_ =	shalt  }
0x60: {  	_ =	shalt  }
0x61: {  	_ =	shalt  }
0x62: {  	_ =	shalt  }
0x63: {  	_ =	shalt  }
0x64: {  	_ =	shalt  }
0x65: {  	_ =	shalt  }
0x66: {  	_ =	shalt  }
0x67: {  	_ =	shalt  }
0x68: {  	_ =	shalt  }
0x69: {  	_ =	shalt  }
0x6a: {  	_ =	shalt  }
0x6b: {  	_ =	shalt  }
0x6c: {  	_ =	shalt  }
0x6d: {  	_ =	shalt  }
0x6e: {  	_ =	shalt  }
0x6f: {  	_ =	shalt  }
0x70: {  	_ =	shalt  }
0x71: {  	_ =	shalt  }
0x72: {  	_ =	shalt  }
0x73: {  	_ =	shalt  }
0x74: {  	_ =	shalt  }
0x75: {  	_ =	shalt  }
0x76: {  	_ =	shalt  }
0x77: {  	_ =	shalt  }
0x78: {  	_ =	shalt  }
0x79: {  	_ =	shalt  }
0x7a: {  	_ =	shalt  }
0x7b: {  	_ =	shalt  }
0x7c: {  	_ =	shalt  }
0x7d: {  	_ =	shalt  }
0x7e: {  	_ =	shalt  }
0x7f: {  	_ =	shalt  }
0x80: {  	_ =	shalt  }
0x81: {  	_ =	shalt  }
0x82: {  	_ =	shalt  }
0x83: {  	_ =	shalt  }
0x84: {  	_ =	shalt  }
0x85: {  	_ =	shalt  }
0x86: {  	_ =	shalt  }
0x87: {  	_ =	shalt  }
.Lfunc_end0:
.L_simem_size_0:
called_computation_lowered:
.L_overlay_start_0:
0x88: {  	s2 =	sld [smem:$0x3FD9]  }
0x89: {  	s3 =	sld [smem:$0x3FFE];
	_ =	sdelay $0x1  }
0x8a: {  	s1 =	srdreg.scid  }
0x8b: {  	s0 =	sand.u32 $0x1, s1  }
0x8c: {  	s17 =	sshll.u32 s0, $0xA;
	s2 =	sadd.s32 s3, s2  }
0x8d: {  	s2 =	sadd.s32 s2, s17  }
0x8e: {  	[smem:$0x3FBD] =	sst s2  }
0x8f: {  	_ = 	snop  }
0x90: {  	s18 =	sld [smem:$0x3FC5];
	(tm) =	ssettm $0x1  }
0x91: {  	s19 =	sld [smem:$0x3FFB];
	_ =	sdelay $0x3  }
0x92: {  	_ =	strace s19  }
0x93: {  	s2 =	sld [smem:$0x3FFC];
	_ =	sdelay $0x3  }
0x94: {  	_ =	strace s2  }
0x95: {  	s2 =	sld [smem:$0x3FFD];
	_ =	sdelay $0x3  }
0x96: {  	_ =	strace s2  }
0x97: {  	_ =	strace $0x8FFFFFFF  }
0x98: {  	s20 =	sld [smem:$0x3FDB];
	_ =	sdelay $0x1  }
0x99: {  	s4 =	simm.s32 $_scs_section_size  }
0x9a: {  	s5 =	simm.s32 $_size__tile_overlayer_lowered;
	s6 =	simm.s32 $_tile_overlayer_lowered  }
0x9b: {  	s7 =	simm.s32 $0x1BFF;
	s21 =	sshll.u32 s6, $0x1;
	s4 =	sadd.s32 s4, s20  }
0x9c: {  	s22 =	simm.s32 $0x0;
	s5 =	sshll.u32 s5, $0x1;
	s6 =	sadd.s32 s21, s4  }
0x9d: {  	[timem:s22], [sflag:s7] =	dma.local [hbm:s6], s5  }
0x9e: {  	_ =	swait.ge [sflag:s7], s5  }
0x9f: {  	s5 =	ssub.s32 $0x0, s5;
	[sflag:s7] =	ssyncset.done $0x0  }
0xa0: {  	[sflag:s7] =	ssyncadd.s32 s5;
	_ =	sdelay $0x1  }
0xa1: {  	s23 =	simm.s32 $0x1B8B  }
0xa2: {  	_ =	swait.ge [sflag:s23], $0x1  }
0xa3: {  	[sflag:s23] =	ssyncset.done $0x0  }
0xa4: {  	[sflag:s23] =	ssyncadd.s32 $0xFFFFFFFF  }
0xa5: {  	s5 =	sld [smem:$0x0]  }
0xa6: {  	s6 =	sand.u32 $0xFFFFFFFE, s1  }
0xa7: {  	p0 =	sne.s32 s1, s6  }
0xa8: {  	s6 =	sshll.u32 @p0 s6, $0xE  }
0xa9: {  	s6 =	sadd.s32 @p0 $0x11B8D, s6;
	s7 =	sshll.u32 @p0 s5, $0x11  }
0xaa: {  	s6 =	sor.u32 @p0 s7, s6  }
0xab: {  	[sflag:s6] =	ssyncadd.remote.s32 @p0 $0x1;
	_ =	sdelay $0x1  }
0xac: {  	s6 =	simm.s32 @p0 $0x1B8D  }
0xad: {  	_ =	swait.eq @p0 [sflag:s6], $0x1  }
0xae: {  	[sflag:s6] =	ssyncadd.s32 @p0 $0xFFFFFFFF  }
0xaf: {  	s7 =	sshll.u32 @!p0 s1, $0xE  }
0xb0: {  	s7 =	sor.u32 @!p0 $0x4000, s7;
	s6 =	simm.s32 @!p0 $0x1B8D  }
0xb1: {  	s5 =	sshll.u32 @!p0 s5, $0x11;
	s7 =	sadd.s32 @!p0 $0x11B8D, s7;
	_ =	swait.eq @!p0 [sflag:s6], $0x1  }
0xb2: {  	s5 =	sor.u32 @!p0 s5, s7;
	[sflag:s6] =	ssyncadd.s32 @!p0 $0xFFFFFFFF  }
0xb3: {  	s25 =	simm.s32 $0x1B8E;
	s24 =	sld [smem:$0x3FFE];
	[sflag:s5] =	ssyncadd.remote.s32 @!p0 $0x1  }
0xb4: {  	s26 =	simm.s32 $execute0_lowered;
	[smem:$0x3FD2] =	sst s25  }
0xb5: {  	s6 =	sshll.u32 s26, $0x1;
	_ =	strace $0x80000049;
	[dreg:$0x1] =	wrdreg $0xFFFFFFFF  }
0xb6: {  	s28 =	simm.s32 $_size_execute0_lowered;
	s4 =	sadd.s32 s4, s6;
	[dreg:$0x0] =	wrdreg $0x0  }
0xb7: {  	s6 =	sshll.u32 s28, $0x1;
	[dreg:$0x2] =	wrdreg s4  }
0xb8: {  	[dreg:$0x3] =	wrdreg s6  }
0xb9: {  	[dreg:$0x4] =	wrdreg $0xC0  }
0xba: {  	_ =	task [dreg:s22], $0x5FFFF  }
0xbb: {  	[dreg:$0x1] =	wrdreg $0xFFFFFFFF  }
0xbc: {  	[dreg:$0x0] =	wrdreg $0x60  }
0xbd: {  	[dreg:$0x2] =	wrdreg s18  }
0xbe: {  	[dreg:$0x3] =	wrdreg s24  }
0xbf: {  	[dreg:$0x4] =	wrdreg $0x9  }
0xc0: {  	_ =	task.clear_ibuf [dreg:s22], $0x5FFFF;
	_ =	strace $0x90000049  }
0xc1: {  	s29 =	simm.s32 $0x9;
	_ =	strace $0x8000004B  }
0xc2: {  	_ =	swait.ge [sflag:s29], $0x1  }
0xc3: {  	[sflag:s29] =	ssyncadd.s32 $0xFFFFFFFF  }
0xc4: {  	_ =	strace $0x9000004B  }
0xc5: {  	_ =	sfence  }
0xc6: {  	s30 =	sld [smem:$0x0];
	_ =	sdelay $0x2  }
0xc7: {  	s31 =	sshll.u32 s1, $0xD;
	s1 =	sshrl.u32 s1, $0x2  }
0xc8: {  	s4 =	sand.u32 $0x4000, s31;
	s1 =	sadd.s32 s1, s30  }
0xc9: {  	s0 =	sor.u32 s4, s0;
	s1 =	sshll.u32 s1, $0x11  }
0xca: {  	s0 =	sor.u32 s1, s0  }
0xcb: {  	s0 =	sadd.s32 $0x8F2B, s0  }
0xcc: {  	[sflag:s0] =	ssyncadd.remote.s32 $0x1  }
0xcd: {  	_ =	sfence.sel $0xFFFF  }
0xce: {  	[dreg:$0x0] =	wrdreg $0xFFFFFFFF;
	(pc) =	sbr.abs _section_cstart, $3  }
0xcf: {  	[dreg:$0x1] =	wrdreg $0xFFFFFFFF  }
0xd0: {  	_ =	task.clear_ibuf [dreg:s22], $0x2FFFF;
	_ =	strace $0x9FFFFFFF  }
0xd1: {  	(tm) =	ssettm $0x7FFFFFFF  }
tec
execute0_lowered:
.L_overlay_start_1:
0x0: {  	(tag) =	ssettag $0x1  }
0x1: {  	s0 =	srdreg.scid;
	s5 =	stileid.u32  }
0x2: {  	s2 =	rddreg [dreg:$0x0];
	s0 =	sand.u32 $0x1, s0;
	s1 =	smul.u32 $0x280, s5  }
0x3: {  	s4 =	rddreg [dreg:$0x1];
	s12 =	simm.s32 $0x880;
	s3 =	smul.u32 $0x140, s0  }
0x4: {  	s14 =	simm.s32 $0x1080;
	s16 =	simm.s32 $0x1880;
	s17 =	simm.s32 $0x2080  }
0x5: {  	s18 =	simm.s32 $0x2880;
	s1 =	sadd.s32 s3, s1;
	s3 =	simm.s32 $0x0  }
0x6: {  	s19 =	simm.s32 $0x3080;
	s20 =	simm.s32 $0x3880;
	[smem:$0x7FF] =	sst s3  }
0x7: {  	s21 =	simm.s32 $0x4080;
	_ =	strace $0x8000004A;
	[dreg:$0x4] =	wrdreg s12  }
0x8: {  	s22 =	simm.s32 $0x4880;
	s23 =	simm.s32 $0x5080;
	[dreg:$0x5] =	wrdreg s14  }
0x9: {  	s24 =	simm.s32 $0x5880;
	s9 =	simm.s32 $0x2;
	[dreg:$0x6] =	wrdreg s16  }
0xa: {  	s25 =	simm.s32 $0x6080;
	s13 =	ssub.s32 $0x2, s0;
	[dreg:$0x7] =	wrdreg s17  }
0xb: {  	s10 =	simm.s32 $0x80;
	s15 =	sshrl.u32 s13, $0x1;
	[dreg:$0x8] =	wrdreg s18  }
0xc: {  	s5 =	smul.u32 $0x14000, s5;
	s7 =	ssub.s32 s13, s15;
	[dreg:$0x9] =	wrdreg s19  }
0xd: {  	s0 =	smul.u32 $0xA000, s0;
	s7 =	smax.u32 s7, $0x1;
	[dreg:$0xa] =	wrdreg s20  }
0xe: {  	s26 =	simm.s32 $0x6880;
	s8 =	sadd.s32 s5, s4;
	[dreg:$0x11] =	wrdreg s7  }
0xf: {  	s11 =	simm.s32 $0x7080;
	s0 =	sadd.s32 s0, s8;
	[dreg:$0xb] =	wrdreg s21  }
0x10: {  	s28 =	simm.s32 $0xF080;
	s0 =	sadd.s32 $0x20A00, s0;
	[dreg:$0xc] =	wrdreg s22  }
0x11: {  	s29 =	simm.s32 $0xF880;
	s30 =	simm.s32 $0x1;
	[dreg:$0x12] =	wrdreg s0  }
0x12: {  	s31 =	simm.s32 $0x0;
	s6 =	sadd.s32 $0x300, s2;
	[dreg:$0xd] =	wrdreg s23  }
0x13: {  	s5 =	sadd.s32 $0x200, s2;
	s13 =	simm.s32 $0x8080;
	[dreg:$0xe] =	wrdreg s24  }
0x14: {  	s15 =	simm.s32 $0x9080;
	s1 =	sshrl.u32 s1, $0x3;
	[dreg:$0xf] =	wrdreg s25  }
0x15: {  	s1 =	sadd.s32 s1, s4;
	s4 =	sadd.s32 $0x100, s2;
	[dreg:$0x10] =	wrdreg s26  }
0x16: {  	s12 =	simm.s32 $0x7880;
	s14 =	simm.s32 $0x8880;
	s16 =	simm.s32 $0x9880  }
0x17: {  	s17 =	simm.s32 $0xA080;
	s18 =	simm.s32 $0xA880;
	s19 =	simm.s32 $0xB080  }
0x18: {  	v2 =	vlaneseq.u32;
	s20 =	simm.s32 $0xB880;
	s21 =	simm.s32 $0xC080;
	s22 =	simm.s32 $0xC880  }
0x19: {  	vm0 =	vmmov $0xffff;
	v1 =	vshrl.u32 v2, $0x3;
	s23 =	simm.s32 $0xD080;
	s24 =	simm.s32 $0xD880;
	s1 =	sadd.s32 $0x20400, s1  }
0x1a: {  	v0 =	vand.u32 $0x7, v2;
	v2 =	vor.u32 $0x8, v2;
	v1 =	vmul.u32 $0x8, v1;
	s25 =	simm.s32 $0xE080;
	s26 =	simm.s32 $0xE880;
	[dreg:$0x3] =	wrdreg s1  }
.LBB2_1:
0x1b: {  	s8 =	rddreg [dreg:$0x12];
	s0 =	simm.s32 $0x0  }
.LBB2_2:
0x1c: {  	s7 =	rddreg [dreg:$0x3]  }
0x1d: {  	s7 =	sadd.s32 s0, s7  }
0x1e: {  	[tilespmem:s3], [sflag:$0x2] =	stream.linear.gather [hbm4b:s7+s3], $0x40, $0x38;
	[tilespmem:$0x10080] =	vst v63  }
0x1f: {  	_ =	swait.ge [sflag:s9], $0x40  }
0x20: {  	[sflag:s9] =	ssyncset.done $0x0  }
0x21: {  	[sflag:s9] =	ssyncadd.s32 $0xFFFFFFC0  }
0x22: {  	v3 =	vld [tilespmem:$0x0];
	_ =	sdelay $0x4  }
0x23: {  	v4 =	vshll.u32 v3, $0x3  }
0x24: {  	v3 =	vand.u32 $0x7, v3;
	v4 =	vand.u32 $0xFFFFFFC0, v4  }
0x25: {  	v3 =	vor.u32 v3, v4  }
0x26: {  	v4 =	vperm.xlane v3, v0;
	_ =	sdelay $0x1  }
0x27: {  	v4 =	vadd.s32 v1, v4;
	_ =	sdelay $0x4  }
0x28: {  	[tilespmem:s10], [sflag:$0x1] =	stream.indirect_vreg.gather [hbm4b:s2+s3], $0x80, v4, vm0, $0xb8;
	[tilespmem:$0x10080] =	vst v63  }
0x29: {  	s7 =	rddreg [dreg:$0x4];
	v3 =	vperm.xlane v3, v2  }
0x2a: {  	[tilespmem:s7], [sflag:$0x1] =	stream.indirect_vreg.gather [hbm4b:s4+s3], $0x80, v4, vm0, $0xb8;
	[tilespmem:$0x10080] =	vst v63  }
0x2b: {  	s1 =	rddreg [dreg:$0x5];
	v3 =	vadd.s32 v1, v3  }
0x2c: {  	[tilespmem:s1], [sflag:$0x1] =	stream.indirect_vreg.gather [hbm4b:s5+s3], $0x80, v4, vm0, $0xb8;
	[tilespmem:$0x10080] =	vst v63  }
0x2d: {  	s7 =	rddreg [dreg:$0x6]  }
0x2e: {  	[tilespmem:s7], [sflag:$0x1] =	stream.indirect_vreg.gather [hbm4b:s6+s3], $0x80, v4, vm0, $0xb8;
	[tilespmem:$0x10080] =	vst v63  }
0x2f: {  	s1 =	rddreg [dreg:$0x7]  }
0x30: {  	[tilespmem:s1], [sflag:$0x1] =	stream.indirect_vreg.gather [hbm4b:s2+s3], $0x80, v3, vm0, $0xb8;
	[tilespmem:$0x10080] =	vst v63  }
0x31: {  	s7 =	rddreg [dreg:$0x8]  }
0x32: {  	[tilespmem:s7], [sflag:$0x1] =	stream.indirect_vreg.gather [hbm4b:s4+s3], $0x80, v3, vm0, $0xb8;
	[tilespmem:$0x10080] =	vst v63  }
0x33: {  	s1 =	rddreg [dreg:$0x9]  }
0x34: {  	[tilespmem:s1], [sflag:$0x1] =	stream.indirect_vreg.gather [hbm4b:s5+s3], $0x80, v3, vm0, $0xb8;
	[tilespmem:$0x10080] =	vst v63  }
0x35: {  	s7 =	rddreg [dreg:$0xa]  }
0x36: {  	[tilespmem:s7], [sflag:$0x1] =	stream.indirect_vreg.gather [hbm4b:s6+s3], $0x80, v3, vm0, $0xb8;
	[tilespmem:$0x10080] =	vst v63  }
0x37: {  	v3 =	vld [tilespmem:$0x10];
	_ =	sdelay $0x4  }
0x38: {  	v61 =	vshll.u32 v3, $0x3  }
0x39: {  	v3 =	vand.u32 $0x7, v3;
	v4 =	vand.u32 $0xFFFFFFC0, v61  }
0x3a: {  	v3 =	vor.u32 v3, v4  }
0x3b: {  	v4 =	vperm.xlane v3, v0;
	_ =	sdelay $0x1  }
0x3c: {  	v4 =	vadd.s32 v1, v4;
	_ =	sdelay $0x3  }
0x3d: {  	s1 =	rddreg [dreg:$0xb]  }
0x3e: {  	[tilespmem:s1], [sflag:$0x1] =	stream.indirect_vreg.gather [hbm4b:s2+s3], $0x80, v4, vm0, $0xb8;
	[tilespmem:$0x10080] =	vst v63  }
0x3f: {  	s7 =	rddreg [dreg:$0xc];
	v3 =	vperm.xlane v3, v2  }
0x40: {  	[tilespmem:s7], [sflag:$0x1] =	stream.indirect_vreg.gather [hbm4b:s4+s3], $0x80, v4, vm0, $0xb8;
	[tilespmem:$0x10080] =	vst v63  }
0x41: {  	v3 =	vadd.s32 v1, v3;
	s1 =	rddreg [dreg:$0xd]  }
0x42: {  	[tilespmem:s1], [sflag:$0x1] =	stream.indirect_vreg.gather [hbm4b:s5+s3], $0x80, v4, vm0, $0xb8;
	[tilespmem:$0x10080] =	vst v63  }
0x43: {  	s7 =	rddreg [dreg:$0xe]  }
0x44: {  	[tilespmem:s7], [sflag:$0x1] =	stream.indirect_vreg.gather [hbm4b:s6+s3], $0x80, v4, vm0, $0xb8;
	[tilespmem:$0x10080] =	vst v63  }
0x45: {  	s1 =	rddreg [dreg:$0xf]  }
0x46: {  	[tilespmem:s1], [sflag:$0x1] =	stream.indirect_vreg.gather [hbm4b:s2+s3], $0x80, v3, vm0, $0xb8;
	[tilespmem:$0x10080] =	vst v63  }
0x47: {  	s7 =	rddreg [dreg:$0x10]  }
0x48: {  	[tilespmem:s7], [sflag:$0x1] =	stream.indirect_vreg.gather [hbm4b:s4+s3], $0x80, v3, vm0, $0xb8;
	[tilespmem:$0x10080] =	vst v63  }
0x49: {  	_ = 	snop  }
0x4a: {  	[tilespmem:s11], [sflag:$0x1] =	stream.indirect_vreg.gather [hbm4b:s5+s3], $0x80, v3, vm0, $0xb8;
	[tilespmem:$0x10080] =	vst v63  }
0x4b: {  	_ = 	snop  }
0x4c: {  	[tilespmem:s12], [sflag:$0x1] =	stream.indirect_vreg.gather [hbm4b:s6+s3], $0x80, v3, vm0, $0xb8;
	[tilespmem:$0x10080] =	vst v63  }
0x4d: {  	v3 =	vld [tilespmem:$0x20];
	_ =	sdelay $0x4  }
0x4e: {  	v62 =	vshll.u32 v3, $0x3  }
0x4f: {  	v3 =	vand.u32 $0x7, v3;
	v4 =	vand.u32 $0xFFFFFFC0, v62  }
0x50: {  	v3 =	vor.u32 v3, v4  }
0x51: {  	v4 =	vperm.xlane v3, v0;
	_ =	sdelay $0x1  }
0x52: {  	v4 =	vadd.s32 v1, v4;
	_ =	sdelay $0x4  }
0x53: {  	[tilespmem:s13], [sflag:$0x1] =	stream.indirect_vreg.gather [hbm4b:s2+s3], $0x80, v4, vm0, $0xb8;
	[tilespmem:$0x10080] =	vst v63  }
0x54: {  	v3 =	vperm.xlane v3, v2  }
0x55: {  	[tilespmem:s14], [sflag:$0x1] =	stream.indirect_vreg.gather [hbm4b:s4+s3], $0x80, v4, vm0, $0xb8;
	[tilespmem:$0x10080] =	vst v63  }
0x56: {  	v3 =	vadd.s32 v1, v3  }
0x57: {  	[tilespmem:s15], [sflag:$0x1] =	stream.indirect_vreg.gather [hbm4b:s5+s3], $0x80, v4, vm0, $0xb8;
	[tilespmem:$0x10080] =	vst v63  }
0x58: {  	_ = 	snop  }
0x59: {  	[tilespmem:s16], [sflag:$0x1] =	stream.indirect_vreg.gather [hbm4b:s6+s3], $0x80, v4, vm0, $0xb8;
	[tilespmem:$0x10080] =	vst v63  }
0x5a: {  	_ = 	snop  }
0x5b: {  	[tilespmem:s17], [sflag:$0x1] =	stream.indirect_vreg.gather [hbm4b:s2+s3], $0x80, v3, vm0, $0xb8;
	[tilespmem:$0x10080] =	vst v63  }
0x5c: {  	_ = 	snop  }
0x5d: {  	[tilespmem:s18], [sflag:$0x1] =	stream.indirect_vreg.gather [hbm4b:s4+s3], $0x80, v3, vm0, $0xb8;
	[tilespmem:$0x10080] =	vst v63  }
0x5e: {  	_ = 	snop  }
0x5f: {  	[tilespmem:s19], [sflag:$0x1] =	stream.indirect_vreg.gather [hbm4b:s5+s3], $0x80, v3, vm0, $0xb8;
	[tilespmem:$0x10080] =	vst v63  }
0x60: {  	_ = 	snop  }
0x61: {  	[tilespmem:s20], [sflag:$0x1] =	stream.indirect_vreg.gather [hbm4b:s6+s3], $0x80, v3, vm0, $0xb8;
	[tilespmem:$0x10080] =	vst v63  }
0x62: {  	v3 =	vld [tilespmem:$0x30];
	_ =	sdelay $0x4  }
0x63: {  	v63 =	vshll.u32 v3, $0x3  }
0x64: {  	v3 =	vand.u32 $0x7, v3;
	v4 =	vand.u32 $0xFFFFFFC0, v63  }
0x65: {  	v3 =	vor.u32 v3, v4  }
0x66: {  	v4 =	vperm.xlane v3, v0;
	_ =	sdelay $0x1  }
0x67: {  	v4 =	vadd.s32 v1, v4;
	_ =	sdelay $0x4  }
0x68: {  	[tilespmem:s21], [sflag:$0x1] =	stream.indirect_vreg.gather [hbm4b:s2+s3], $0x80, v4, vm0, $0xb8;
	[tilespmem:$0x10080] =	vst v63  }
0x69: {  	v3 =	vperm.xlane v3, v2  }
0x6a: {  	[tilespmem:s22], [sflag:$0x1] =	stream.indirect_vreg.gather [hbm4b:s4+s3], $0x80, v4, vm0, $0xb8;
	[tilespmem:$0x10080] =	vst v63  }
0x6b: {  	v3 =	vadd.s32 v1, v3  }
0x6c: {  	[tilespmem:s23], [sflag:$0x1] =	stream.indirect_vreg.gather [hbm4b:s5+s3], $0x80, v4, vm0, $0xb8;
	[tilespmem:$0x10080] =	vst v63  }
0x6d: {  	_ = 	snop  }
0x6e: {  	[tilespmem:s24], [sflag:$0x1] =	stream.indirect_vreg.gather [hbm4b:s6+s3], $0x80, v4, vm0, $0xb8;
	[tilespmem:$0x10080] =	vst v63  }
0x6f: {  	_ = 	snop  }
0x70: {  	[tilespmem:s25], [sflag:$0x1] =	stream.indirect_vreg.gather [hbm4b:s2+s3], $0x80, v3, vm0, $0xb8;
	[tilespmem:$0x10080] =	vst v63  }
0x71: {  	_ = 	snop  }
0x72: {  	[tilespmem:s26], [sflag:$0x1] =	stream.indirect_vreg.gather [hbm4b:s4+s3], $0x80, v3, vm0, $0xb8;
	[tilespmem:$0x10080] =	vst v63  }
0x73: {  	_ = 	snop  }
0x74: {  	[tilespmem:s28], [sflag:$0x1] =	stream.indirect_vreg.gather [hbm4b:s5+s3], $0x80, v3, vm0, $0xb8;
	[tilespmem:$0x10080] =	vst v63  }
0x75: {  	_ = 	snop  }
0x76: {  	[tilespmem:s29], [sflag:$0x1] =	stream.indirect_vreg.gather [hbm4b:s6+s3], $0x80, v3, vm0, $0xb8;
	[tilespmem:$0x10080] =	vst v63  }
0x77: {  	_ =	swait.ge [sflag:s30], $0x10000  }
0x78: {  	p0 =	sne.s32 s0, $0x20;
	[sflag:s30] =	ssyncset.done $0x0  }
.Ltmp0:
0x79: {  	[sflag:s30] =	ssyncadd.s32 $0xFFFF0000;
	(pc) =	sbr.rel @p0 .LBB2_2-.Ltmp0, $4  }
0x7a: {  	[hbm4b:s8+s3] =	stream.linear.scatter [tilespmem:s10], [sflag:$0x2], $0x10000, $0x38;
	[tilespmem:$0x10080] =	vst v63  }
0x7b: {  	_ =	swait.ge [sflag:s9], $0x10000  }
0x7c: {  	[sflag:s9] =	ssyncset.done $0x0  }
0x7d: {  	s0 =	sadd.s32 $0x8, s0;
	s8 =	sadd.s32 $0x2000, s8;
	[sflag:s9] =	ssyncadd.s32 $0xFFFF0000  }
0x7e: {  	s31 =	sadd.s32 $0x1, s31;
	s0 =	rddreg [dreg:$0x11]  }
0x7f: {  	p0 =	sne.s32 s31, s0  }
.Ltmp1:
0x80: {  	_ = 	snop;
	(pc) =	sbr.rel @p0 .LBB2_1-.Ltmp1, $1  }
0x81: {  	_ =	sdelay $0x3  }
0x82: {  	_ =	sfence.sel $0x180000  }
0x83: {  	[bflag:$0x0] =	sbarrier.arrive $0xFFFF  }
0x84: {  	_ =	strace $0x9000004A  }
0x85: {  	s0 =	stileid.u32;
	[bflag:$0x2] =	sbarrier.arrive $0xFFFF  }
0x86: {  	p0 =	sne.s32 s0, $0x0;
	s0 =	rddreg [dreg:$0x2]  }
0x87: {  	s0 =	sadd.s32 @!p0 $0x100000, s0  }
0x88: {  	[sflag:s0] =	ssyncadd.tile.s32 @!p0 $0x1;
	_ =	shalt  }
.Lfunc_end2:
_tile_overlayer_lowered:
.L_overlay_start_2:
0x89: {  	(tag) =	ssettag $0x2  }
0x8a: {  	s0 =	rddreg [dreg:$0x0];
	s2 =	stileid.u32  }
0x8b: {  	s1 =	rddreg [dreg:$0x1];
	p0 =	sne.s32 s2, $0x0  }
0x8c: {  	s3 =	rddreg [dreg:$0x2];
	[bflag:$0x3] =	sbarrier.arrive $0xFFFF;
	s2 =	simm.s32 @!p0 $0x1C02  }
0x8d: {  	[timem:s3], [sflag:s2] =	dma.local @!p0 [hbm:s0], s1  }
0x8e: {  	s0 =	simm.s32 @!p0 $0x2  }
0x8f: {  	_ =	swait.ge @!p0 [sflag:s0], s1  }
0x90: {  	s1 =	ssub.s32 @!p0 $0x0, s1;
	[sflag:s0] =	ssyncset.done @!p0 $0x0  }
0x91: {  	[sflag:s0] =	ssyncadd.s32 @!p0 s1  }
0x92: {  	[bflag:$0x3] =	sbarrier.arrive $0xFFFF  }
0x93: {  	_ =	shalt  }

// kernel: kernel.13.cloned.1.call-start
scs
__scs_entry_jumppad:
0x0: {  	(pc) =	sbr.rel $0x88, $3  }
0x1: {  	(tag) =	ssettag $0x0;
	lr =	simm.s32 $0x1  }
0x2: {  	[smem:$0x3F96] =	sst lr;
	_ =	strace $0xD0000000  }
0x3: {  	_ = 	snop  }
0x4: {  	_ = 	snop  }
0x5: {  	_ = 	snop  }
0x6: {  	_ = 	snop  }
0x7: {  	_ = 	snop  }
__scs_overlays_trampoline_lowered:
0x8: {  	[smem:$0x3FA5] =	sst s0  }
0x9: {  	[smem:$0x3FA6] =	sst s1  }
0xa: {  	[smem:$0x3FA7] =	sst s2  }
0xb: {  	[smem:$0x3FA8] =	sst s3  }
0xc: {  	[smem:$0x3FA9] =	sst s4  }
0xd: {  	[smem:$0x3FAA] =	sst s5  }
0xe: {  	[smem:$0x3FAB] =	sst s6  }
0xf: {  	[smem:$0x3FAC] =	sst s7  }
0x10: {  	[smem:$0x3FAD] =	sst s8  }
0x11: {  	[smem:$0x3FAE] =	sst s9;
	s0 =	simm.s32 @!p0 $0x0  }
0x12: {  	s1 =	sld [smem:$0x3F94];
	s0 =	simm.s32 @p0 $0x1  }
0x13: {  	[smem:$0x3FAF] =	sst s0;
	s0 =	simm.s32 @!p1 $0x0  }
0x14: {  	s2 =	sld [smem:$0x3F93];
	s0 =	simm.s32 @p1 $0x1  }
0x15: {  	[smem:$0x3FB0] =	sst s0;
	s0 =	simm.s32 @!p2 $0x0  }
0x16: {  	s3 =	sld [smem:$0x3FDB];
	s0 =	simm.s32 @p2 $0x1  }
0x17: {  	s4 =	simm.s32 $0x1BF5;
	[smem:$0x3FB2] =	sst s0  }
0x18: {  	s0 =	sld [smem:$0x3F95];
	_ =	swait.ge [sflag:s4], $0x0  }
0x19: {  	s7 =	sld [smem:$0x3F96]  }
0x1a: {  	s8 =	sadd.s32 $0xFFFFE003, lr  }
0x1b: {  	s9 =	sadd.s32 $0xFFFFFEF7, lr;
	s5 =	simm.s32 $0xFFFFFFFF;
	p2 =	slt.u32 s8, $0xFFFFF086  }
0x1c: {  	p1 =	slt.u32 s9, $0xF7A;
	s5 =	simm.s32 @!p2 $0x0  }
0x1d: {  	s5 =	simm.s32 @p1 $0x1;
	p0 =	seq.s32 s7, s2  }
0x1e: {  	s7 =	smul.u32 @!p0 $0xF7A, s2;
	p2 =	seq.s32 @!p0 s5, $0x0  }
0x1f: {  	s9 =	smul.u32 $0xF7A, s1;
	s8 =	simm.s32 @!p0 $0x1BF5;
	p2 =	por !p2, p0  }
0x20: {  	[sflag:s8] =	ssyncset.s32 @!p0 $0xFFFFF086;
	s6 =	sadd.s32 @!p0 s3, s7;
	s7 =	simm.s32 @!p0 $0x108  }
0x21: {  	s3 =	sadd.s32 s3, s9;
	s6 =	sadd.s32 @!p0 $0x88, s6;
	s7 =	simm.s32 @p2 $0x1082  }
0x22: {  	[simem:s7], [sflag:s8] =	dma.local @!p0 [hbm:s6], $0xF7A  }
0x23: {  	s9 =	sor.u32 $0xD0000000, s2;
	s6 =	simm.s32 $0x108;
	_ =	swait.ge @!p0 [sflag:s8], $0x0  }
0x24: {  	s3 =	sadd.s32 $0x88, s3;
	s6 =	simm.s32 @!p1 $0x1082;
	[sflag:s4] =	ssyncset.s32 $0xFFFFF086  }
0x25: {  	[simem:s6], [sflag:s4] =	dma.local [hbm:s3], $0xF7A  }
0x26: {  	[smem:$0x3F96] =	sst s1;
	(tag) =	ssettag s2;
	_ =	strace s9  }
0x27: {  	s1 =	sld [smem:$0x3FA6]  }
0x28: {  	s2 =	sld [smem:$0x3FA7]  }
0x29: {  	s4 =	sld [smem:$0x3FA9]  }
0x2a: {  	p0 =	seq.s32 s5, $0x0;
	s5 =	sld [smem:$0x3FAA]  }
0x2b: {  	s6 =	sld [smem:$0x3FAB]  }
0x2c: {  	s7 =	sld [smem:$0x3FAC]  }
0x2d: {  	s3 =	simm.s32 $0x108;
	s8 =	sld [smem:$0x3FAD]  }
0x2e: {  	s3 =	simm.s32 @!p0 $0x1082;
	s9 =	sld [smem:$0x3FAE]  }
0x2f: {  	lr =	sadd.s32 s0, s3;
	s0 =	sld [smem:$0x3FA5]  }
0x30: {  	s3 =	sld [smem:$0x3FA8]  }
0x31: {  	[smem:$0x3FB1] =	sst s10  }
0x32: {  	s10 =	sld [smem:$0x3FAF];
	_ =	sdelay $0x3  }
0x33: {  	p0 =	seq.s32 s10, $0x1;
	s10 =	sld [smem:$0x3FB1];
	_ =	sdelay $0x3  }
0x34: {  	[smem:$0x3FB1] =	sst s10  }
0x35: {  	s10 =	sld [smem:$0x3FB0];
	_ =	sdelay $0x3  }
0x36: {  	p1 =	seq.s32 s10, $0x1;
	s10 =	sld [smem:$0x3FB1];
	_ =	sdelay $0x3  }
0x37: {  	[smem:$0x3FB1] =	sst s10  }
0x38: {  	s10 =	sld [smem:$0x3FB2]  }
0x39: {  	_ = 	snop;
	(pc) =	sbr.ind lr, $3  }
0x3a: {  	_ = 	snop  }
0x3b: {  	_ = 	snop  }
0x3c: {  	p2 =	seq.s32 s10, $0x1;
	s10 =	sld [smem:$0x3FB1]  }
0x3d: {  	_ =	shalt  }
0x3e: {  	_ =	shalt  }
0x3f: {  	_ =	shalt  }
0x40: {  	_ =	shalt  }
0x41: {  	_ =	shalt  }
0x42: {  	_ =	shalt  }
0x43: {  	_ =	shalt  }
0x44: {  	_ =	shalt  }
0x45: {  	_ =	shalt  }
0x46: {  	_ =	shalt  }
0x47: {  	_ =	shalt  }
0x48: {  	_ =	shalt  }
0x49: {  	_ =	shalt  }
0x4a: {  	_ =	shalt  }
0x4b: {  	_ =	shalt  }
0x4c: {  	_ =	shalt  }
0x4d: {  	_ =	shalt  }
0x4e: {  	_ =	shalt  }
0x4f: {  	_ =	shalt  }
0x50: {  	_ =	shalt  }
0x51: {  	_ =	shalt  }
0x52: {  	_ =	shalt  }
0x53: {  	_ =	shalt  }
0x54: {  	_ =	shalt  }
0x55: {  	_ =	shalt  }
0x56: {  	_ =	shalt  }
0x57: {  	_ =	shalt  }
0x58: {  	_ =	shalt  }
0x59: {  	_ =	shalt  }
0x5a: {  	_ =	shalt  }
0x5b: {  	_ =	shalt  }
0x5c: {  	_ =	shalt  }
0x5d: {  	_ =	shalt  }
0x5e: {  	_ =	shalt  }
0x5f: {  	_ =	shalt  }
0x60: {  	_ =	shalt  }
0x61: {  	_ =	shalt  }
0x62: {  	_ =	shalt  }
0x63: {  	_ =	shalt  }
0x64: {  	_ =	shalt  }
0x65: {  	_ =	shalt  }
0x66: {  	_ =	shalt  }
0x67: {  	_ =	shalt  }
0x68: {  	_ =	shalt  }
0x69: {  	_ =	shalt  }
0x6a: {  	_ =	shalt  }
0x6b: {  	_ =	shalt  }
0x6c: {  	_ =	shalt  }
0x6d: {  	_ =	shalt  }
0x6e: {  	_ =	shalt  }
0x6f: {  	_ =	shalt  }
0x70: {  	_ =	shalt  }
0x71: {  	_ =	shalt  }
0x72: {  	_ =	shalt  }
0x73: {  	_ =	shalt  }
0x74: {  	_ =	shalt  }
0x75: {  	_ =	shalt  }
0x76: {  	_ =	shalt  }
0x77: {  	_ =	shalt  }
0x78: {  	_ =	shalt  }
0x79: {  	_ =	shalt  }
0x7a: {  	_ =	shalt  }
0x7b: {  	_ =	shalt  }
0x7c: {  	_ =	shalt  }
0x7d: {  	_ =	shalt  }
0x7e: {  	_ =	shalt  }
0x7f: {  	_ =	shalt  }
0x80: {  	_ =	shalt  }
0x81: {  	_ =	shalt  }
0x82: {  	_ =	shalt  }
0x83: {  	_ =	shalt  }
0x84: {  	_ =	shalt  }
0x85: {  	_ =	shalt  }
0x86: {  	_ =	shalt  }
0x87: {  	_ =	shalt  }
.Lfunc_end0:
.L_simem_size_0:
called_computation.1_lowered:
.L_overlay_start_0:
0x88: {  	s2 =	sld [smem:$0x3FD9]  }
0x89: {  	s3 =	sld [smem:$0x3FFE];
	_ =	sdelay $0x1  }
0x8a: {  	s1 =	srdreg.scid  }
0x8b: {  	s0 =	sand.u32 $0x1, s1  }
0x8c: {  	s17 =	sshll.u32 s0, $0xA;
	s2 =	sadd.s32 s3, s2  }
0x8d: {  	s2 =	sadd.s32 s2, s17  }
0x8e: {  	[smem:$0x3FBD] =	sst s2  }
0x8f: {  	_ = 	snop  }
0x90: {  	s2 =	sld [smem:$0x3FD0];
	(tm) =	ssettm $0x1  }
0x91: {  	s18 =	sld [smem:$0x3FFB];
	_ =	sdelay $0x3  }
0x92: {  	_ =	strace s18  }
0x93: {  	s3 =	sld [smem:$0x3FFC];
	_ =	sdelay $0x3  }
0x94: {  	_ =	strace s3  }
0x95: {  	s3 =	sld [smem:$0x3FFD];
	_ =	sdelay $0x3  }
0x96: {  	_ =	strace s3  }
0x97: {  	_ =	strace $0x8FFFFFFF  }
0x98: {  	s19 =	sld [smem:$0x3FDB];
	_ =	sdelay $0x1  }
0x99: {  	s4 =	simm.s32 $_scs_section_size  }
0x9a: {  	s5 =	simm.s32 $_size__tile_overlayer_lowered;
	s6 =	simm.s32 $_tile_overlayer_lowered  }
0x9b: {  	s22 =	simm.s32 $0x1BFF;
	s21 =	sshll.u32 s6, $0x1;
	s3 =	sadd.s32 s4, s19  }
0x9c: {  	s7 =	simm.s32 $0x0;
	s20 =	sshll.u32 s5, $0x1;
	s5 =	sadd.s32 s21, s3  }
0x9d: {  	[timem:s7], [sflag:s22] =	dma.local [hbm:s5], s20  }
0x9e: {  	_ =	swait.ge [sflag:s22], s20  }
0x9f: {  	s4 =	ssub.s32 $0x0, s20;
	[sflag:s22] =	ssyncset.done $0x0  }
0xa0: {  	[sflag:s22] =	ssyncadd.s32 s4;
	_ =	sdelay $0x1  }
0xa1: {  	s23 =	simm.s32 $0x1B8B  }
0xa2: {  	_ =	swait.ge [sflag:s23], $0x1  }
0xa3: {  	[sflag:s23] =	ssyncset.done $0x0  }
0xa4: {  	s25 =	simm.s32 $0x1B8E;
	s24 =	sld [smem:$0x3FFE];
	[sflag:s23] =	ssyncadd.s32 $0xFFFFFFFF  }
0xa5: {  	s26 =	simm.s32 $execute0_lowered;
	[smem:$0x3FD2] =	sst s25  }
0xa6: {  	s5 =	sshll.u32 s26, $0x1;
	_ =	strace $0x80000046;
	[dreg:$0x1] =	wrdreg $0xFFFFFFFF  }
0xa7: {  	s28 =	simm.s32 $_size_execute0_lowered;
	s3 =	sadd.s32 s3, s5;
	[dreg:$0x0] =	wrdreg $0x0  }
0xa8: {  	s5 =	sshll.u32 s28, $0x1;
	[dreg:$0x2] =	wrdreg s3  }
0xa9: {  	[dreg:$0x3] =	wrdreg s5  }
0xaa: {  	[dreg:$0x4] =	wrdreg $0xC0  }
0xab: {  	_ =	task [dreg:s7], $0x5FFFF  }
0xac: {  	[dreg:$0x1] =	wrdreg $0xFFFFFFFF  }
0xad: {  	[dreg:$0x0] =	wrdreg $0x60  }
0xae: {  	[dreg:$0x2] =	wrdreg s24  }
0xaf: {  	[dreg:$0x3] =	wrdreg s2  }
0xb0: {  	[dreg:$0x4] =	wrdreg $0xA  }
0xb1: {  	_ =	task.clear_ibuf [dreg:s7], $0x5FFFF;
	_ =	strace $0x90000046  }
0xb2: {  	s29 =	simm.s32 $0xA;
	_ =	strace $0x80000048  }
0xb3: {  	_ =	swait.ge [sflag:s29], $0x1  }
0xb4: {  	[sflag:s29] =	ssyncadd.s32 $0xFFFFFFFF  }
0xb5: {  	_ =	strace $0x90000048  }
0xb6: {  	_ =	sfence  }
0xb7: {  	s30 =	sld [smem:$0x0];
	_ =	sdelay $0x2  }
0xb8: {  	s31 =	sshll.u32 s1, $0xD;
	s1 =	sshrl.u32 s1, $0x2  }
0xb9: {  	s3 =	sand.u32 $0x4000, s31;
	s1 =	sadd.s32 s1, s30  }
0xba: {  	s0 =	sor.u32 s3, s0;
	s1 =	sshll.u32 s1, $0x11  }
0xbb: {  	s0 =	sor.u32 s1, s0  }
0xbc: {  	s0 =	sadd.s32 $0x8F2B, s0  }
0xbd: {  	[sflag:s0] =	ssyncadd.remote.s32 $0x1  }
0xbe: {  	_ =	sfence.sel $0xFFFF  }
0xbf: {  	[dreg:$0x0] =	wrdreg $0xFFFFFFFF;
	(pc) =	sbr.abs _section_cstart, $3  }
0xc0: {  	[dreg:$0x1] =	wrdreg $0xFFFFFFFF  }
0xc1: {  	_ =	task.clear_ibuf [dreg:s7], $0x2FFFF;
	_ =	strace $0x9FFFFFFF  }
0xc2: {  	(tm) =	ssettm $0x7FFFFFFF  }
0xc3: {  	_ =	shalt  }
tec
execute0_lowered:
.L_overlay_start_1:
0x0: {  	(tag) =	ssettag $0x1  }
0x1: {  	s3 =	rddreg [dreg:$0x0]  }
0x2: {  	s4 =	rddreg [dreg:$0x1]  }
0x3: {  	s2 =	srdreg.scid;
	s1 =	stileid.u32  }
0x4: {  	s0 =	rddreg [dreg:$0x2];
	s15 =	simm.s32 $0x3200;
	s16 =	simm.s32 $0x80  }
0x5: {  	s17 =	simm.s32 $0x400;
	s18 =	simm.s32 $0x0;
	s5 =	sand.u32 $0x1, s2  }
0x6: {  	s6 =	sshll.u32 s1, $0x1;
	s2 =	simm.s32 $0x0;
	s7 =	sshrl.u32 s1, $0x2  }
0x7: {  	s11 =	sadd.s32 $0xC800, s3;
	s12 =	sadd.s32 $0x16600, s3;
	s6 =	sor.u32 s5, s6  }
0x8: {  	[smem:$0x7FF] =	sst s2;
	s7 =	smul.u32 $0x14000, s7;
	s8 =	sshll.u32 s6, $0x7  }
0x9: {  	s5 =	ssub.s32 $0x2, s5;
	s6 =	smul.u32 $0x2780, s6;
	s8 =	sand.u32 $0x380, s8  }
0xa: {  	_ =	strace $0x80000047;
	s30 =	sshrl.u32 s5, $0x1;
	s7 =	sor.u32 s7, s8  }
0xb: {  	s5 =	ssub.s32 s5, s30;
	s10 =	sshrl.u32 s6, $0x3;
	s7 =	sshrl.u32 s7, $0x3  }
0xc: {  	s31 =	sadd.s32 $0x13C, s10;
	s6 =	sadd.s32 s12, s10;
	s13 =	sadd.s32 $0x278, s10  }
0xd: {  	s14 =	sadd.s32 $0x3B4, s10;
	s3 =	sadd.s32 s4, s7;
	s4 =	smax.u32 s5, $0x1  }
0xe: {  	s5 =	sadd.s32 s11, s10;
	s7 =	sadd.s32 s11, s31;
	s8 =	sadd.s32 s12, s31  }
0xf: {  	s9 =	sadd.s32 s11, s13;
	s10 =	sadd.s32 s12, s13;
	s11 =	sadd.s32 s11, s14  }
0x10: {  	v0 =	vimm.f32 $0.0e+00;
	s12 =	sadd.s32 s12, s14;
	s13 =	simm.s32 $0x2800;
	s14 =	simm.s32 $0x1  }
.LBB2_1:
0x11: {  	s19 =	simm.s32 $0x40;
	s20 =	simm.s32 $0x0  }
.LBB2_2:
0x12: {  	p0 =	sne.s32 s19, $0x9FC0;
	[tilespmem:s20+$0x0] =	vst v0;
	s20 =	smov.u32 s19;
	s19 =	sadd.s32 $0x40, s19  }
.Ltmp0:
0x13: {  	(pc) =	sbr.rel @p0 .LBB2_2-.Ltmp0, $2  }
0x14: {  	_ =	sdelay $0x2  }
0x15: {  	s20 =	sshra.s32 s20, $0x2  }
0x16: {  	[tilespmem:s20+$0x0] =	vst v0;
	s19 =	simm.s32 $0x0  }
0x17: {  	[tilespmem:s13], [sflag:$0x1] =	stream.linear.gather [hbm4b:s5+s19], $0x9E0, $0x38;
	[tilespmem:$0x3C00] =	vst v63  }
0x18: {  	_ =	swait.ge [sflag:s14], $0x9E0  }
0x19: {  	[sflag:s14] =	ssyncset.done $0x0  }
0x1a: {  	[sflag:s14] =	ssyncadd.s32 $0xFFFFF620  }
0x1b: {  	[tilespmem:s15], [sflag:$0x1] =	stream.linear.gather [hbm4b:s6+s19], $0x9E0, $0x38;
	[tilespmem:$0x3C00] =	vst v63  }
0x1c: {  	_ =	swait.ge [sflag:s14], $0x9E0  }
0x1d: {  	[sflag:s14] =	ssyncset.done $0x0  }
0x1e: {  	s20 =	simm.s32 $0x0;
	s19 =	simm.s32 $0x40;
	[sflag:s14] =	ssyncadd.s32 $0xFFFFF620  }
.LBB2_4:
0x1f: {  	p0 =	sne.s32 s19, $0x2740;
	v1 =	vld [tilespmem:s20+$0x2800];
	_ =	sdelay $0x2  }
0x20: {  	v2 =	vld [tilespmem:s20+$0x3200]  }
.Ltmp1:
0x21: {  	(pc) =	sbr.rel @p0 .LBB2_4-.Ltmp1, $2  }
0x22: {  	_ =	sdelay $0x2  }
0x23: {  	s20 =	sshra.s32 s19, $0x2;
	s19 =	sadd.s32 $0x40, s19;
	[tilespmem:v1+s2+$0x0] =	vst.idx.add.f32.msk $0xffff, v2  }
0x24: {  	v1 =	vld [tilespmem:s20+$0x2800];
	_ =	sdelay $0x2  }
0x25: {  	v2 =	vld [tilespmem:s20+$0x3200];
	_ =	sdelay $0x4  }
0x26: {  	s19 =	simm.s32 $0x0;
	[tilespmem:v1+s2+$0x0] =	vst.idx.add.f32.msk $0xffff, v2  }
0x27: {  	[tilespmem:s13], [sflag:$0x1] =	stream.linear.gather [hbm4b:s7+s19], $0x9E0, $0x38;
	[tilespmem:$0x3C00] =	vst v63  }
0x28: {  	_ =	swait.ge [sflag:s14], $0x9E0  }
0x29: {  	[sflag:s14] =	ssyncset.done $0x0  }
0x2a: {  	[sflag:s14] =	ssyncadd.s32 $0xFFFFF620  }
0x2b: {  	[tilespmem:s15], [sflag:$0x1] =	stream.linear.gather [hbm4b:s8+s19], $0x9E0, $0x38;
	[tilespmem:$0x3C00] =	vst v63  }
0x2c: {  	_ =	swait.ge [sflag:s14], $0x9E0  }
0x2d: {  	[sflag:s14] =	ssyncset.done $0x0  }
0x2e: {  	s20 =	simm.s32 $0x0;
	s19 =	simm.s32 $0x40;
	[sflag:s14] =	ssyncadd.s32 $0xFFFFF620  }
.LBB2_6:
0x2f: {  	p0 =	sne.s32 s19, $0x2740;
	v1 =	vld [tilespmem:s20+$0x2800];
	_ =	sdelay $0x2  }
0x30: {  	v2 =	vld [tilespmem:s20+$0x3200]  }
.Ltmp2:
0x31: {  	(pc) =	sbr.rel @p0 .LBB2_6-.Ltmp2, $2  }
0x32: {  	_ =	sdelay $0x2  }
0x33: {  	s20 =	sshra.s32 s19, $0x2;
	s19 =	sadd.s32 $0x40, s19;
	[tilespmem:v1+s2+$0x0] =	vst.idx.add.f32.msk $0xffff, v2  }
0x34: {  	v1 =	vld [tilespmem:s20+$0x2800];
	_ =	sdelay $0x2  }
0x35: {  	v2 =	vld [tilespmem:s20+$0x3200];
	_ =	sdelay $0x4  }
0x36: {  	s19 =	simm.s32 $0x0;
	[tilespmem:v1+s2+$0x0] =	vst.idx.add.f32.msk $0xffff, v2  }
0x37: {  	[tilespmem:s13], [sflag:$0x1] =	stream.linear.gather [hbm4b:s9+s19], $0x9E0, $0x38;
	[tilespmem:$0x3C00] =	vst v63  }
0x38: {  	_ =	swait.ge [sflag:s14], $0x9E0  }
0x39: {  	[sflag:s14] =	ssyncset.done $0x0  }
0x3a: {  	[sflag:s14] =	ssyncadd.s32 $0xFFFFF620  }
0x3b: {  	[tilespmem:s15], [sflag:$0x1] =	stream.linear.gather [hbm4b:s10+s19], $0x9E0, $0x38;
	[tilespmem:$0x3C00] =	vst v63  }
0x3c: {  	_ =	swait.ge [sflag:s14], $0x9E0  }
0x3d: {  	[sflag:s14] =	ssyncset.done $0x0  }
0x3e: {  	s20 =	simm.s32 $0x0;
	s19 =	simm.s32 $0x40;
	[sflag:s14] =	ssyncadd.s32 $0xFFFFF620  }
.LBB2_8:
0x3f: {  	p0 =	sne.s32 s19, $0x2740;
	v1 =	vld [tilespmem:s20+$0x2800];
	_ =	sdelay $0x2  }
0x40: {  	v2 =	vld [tilespmem:s20+$0x3200]  }
.Ltmp3:
0x41: {  	(pc) =	sbr.rel @p0 .LBB2_8-.Ltmp3, $2  }
0x42: {  	_ =	sdelay $0x2  }
0x43: {  	s20 =	sshra.s32 s19, $0x2;
	s19 =	sadd.s32 $0x40, s19;
	[tilespmem:v1+s2+$0x0] =	vst.idx.add.f32.msk $0xffff, v2  }
0x44: {  	v1 =	vld [tilespmem:s20+$0x2800];
	_ =	sdelay $0x2  }
0x45: {  	v2 =	vld [tilespmem:s20+$0x3200];
	_ =	sdelay $0x4  }
0x46: {  	s19 =	simm.s32 $0x0;
	[tilespmem:v1+s2+$0x0] =	vst.idx.add.f32.msk $0xffff, v2  }
0x47: {  	[tilespmem:s13], [sflag:$0x1] =	stream.linear.gather [hbm4b:s11+s19], $0x9E0, $0x38;
	[tilespmem:$0x3C00] =	vst v63  }
0x48: {  	_ =	swait.ge [sflag:s14], $0x9E0  }
0x49: {  	[sflag:s14] =	ssyncset.done $0x0  }
0x4a: {  	[sflag:s14] =	ssyncadd.s32 $0xFFFFF620  }
0x4b: {  	[tilespmem:s15], [sflag:$0x1] =	stream.linear.gather [hbm4b:s12+s19], $0x9E0, $0x38;
	[tilespmem:$0x3C00] =	vst v63  }
0x4c: {  	_ =	swait.ge [sflag:s14], $0x9E0  }
0x4d: {  	[sflag:s14] =	ssyncset.done $0x0  }
0x4e: {  	s20 =	simm.s32 $0x0;
	s19 =	simm.s32 $0x40;
	[sflag:s14] =	ssyncadd.s32 $0xFFFFF620  }
.LBB2_10:
0x4f: {  	p0 =	sne.s32 s19, $0x2740;
	v1 =	vld [tilespmem:s20+$0x2800];
	_ =	sdelay $0x2  }
0x50: {  	v2 =	vld [tilespmem:s20+$0x3200]  }
.Ltmp4:
0x51: {  	(pc) =	sbr.rel @p0 .LBB2_10-.Ltmp4, $2  }
0x52: {  	_ =	sdelay $0x2  }
0x53: {  	s20 =	sshra.s32 s19, $0x2;
	s19 =	sadd.s32 $0x40, s19;
	[tilespmem:v1+s2+$0x0] =	vst.idx.add.f32.msk $0xffff, v2  }
0x54: {  	v1 =	vld [tilespmem:s20+$0x2800];
	_ =	sdelay $0x2  }
0x55: {  	v2 =	vld [tilespmem:s20+$0x3200];
	_ =	sdelay $0x2  }
0x56: {  	s18 =	sadd.s32 $0x1, s18  }
0x57: {  	p0 =	sne.s32 s18, s4  }
.Ltmp5:
0x58: {  	[tilespmem:v1+s2+$0x0] =	vst.idx.add.f32.msk $0xffff, v2;
	(pc) =	sbr.rel @p0 .LBB2_1-.Ltmp5, $4  }
0x59: {  	[hbm4b:s3+s16] =	stream.strided.scatter [tilespmem:s2], [sflag:$0x1], $0x2800, s17, s16, $0x38;
	[tilespmem:$0x3C00] =	vst v63  }
0x5a: {  	_ =	swait.ge [sflag:s14], $0x2800  }
0x5b: {  	[sflag:s14] =	ssyncset.done $0x0  }
0x5c: {  	[sflag:s14] =	ssyncadd.s32 $0xFFFFD800  }
0x5d: {  	_ =	sfence.sel $0x180000  }
0x5e: {  	[bflag:$0x0] =	sbarrier.arrive $0xFFFF  }
0x5f: {  	p0 =	sne.s32 s1, $0x0;
	_ =	strace $0x90000047  }
0x60: {  	s0 =	sadd.s32 @!p0 $0x100000, s0;
	[bflag:$0x2] =	sbarrier.arrive $0xFFFF  }
0x61: {  	[sflag:s0] =	ssyncadd.tile.s32 @!p0 $0x1;
	_ =	shalt  }
.Lfunc_end2:
_tile_overlayer_lowered:
.L_overlay_start_2:
0x62: {  	(tag) =	ssettag $0x2  }
0x63: {  	s0 =	rddreg [dreg:$0x0];
	s2 =	stileid.u32  }
0x64: {  	s1 =	rddreg [dreg:$0x1];
	p0 =	sne.s32 s2, $0x0  }
0x65: {  	s3 =	rddreg [dreg:$0x2];
	[bflag:$0x3] =	sbarrier.arrive $0xFFFF;
	s2 =	simm.s32 @!p0 $0x1C01  }
0x66: {  	[timem:s3], [sflag:s2] =	dma.local @!p0 [hbm:s0], s1  }
0x67: {  	s0 =	simm.s32 @!p0 $0x1  }
0x68: {  	_ =	swait.ge @!p0 [sflag:s0], s1  }
0x69: {  	s1 =	ssub.s32 @!p0 $0x0, s1;
	[sflag:s0] =	ssyncset.done @!p0 $0x0  }
0x6a: {  	[sflag:s0] =	ssyncadd.s32 @!p0 s1  }
0x6b: {  	[bflag:$0x3] =	sbarrier.arrive $0xFFFF  }
0x6c: {  	_ =	shalt  }

// kernel: kernel.16.cloned.1.call-start
scs
__scs_entry_jumppad:
0x0: {  	(pc) =	sbr.rel $0x88, $3  }
0x1: {  	(tag) =	ssettag $0x0;
	lr =	simm.s32 $0x1  }
0x2: {  	[smem:$0x3F96] =	sst lr;
	_ =	strace $0xD0000000  }
0x3: {  	_ = 	snop  }
0x4: {  	_ = 	snop  }
0x5: {  	_ = 	snop  }
0x6: {  	_ = 	snop  }
0x7: {  	_ = 	snop  }
__scs_overlays_trampoline_lowered:
0x8: {  	[smem:$0x3FA5] =	sst s0  }
0x9: {  	[smem:$0x3FA6] =	sst s1  }
0xa: {  	[smem:$0x3FA7] =	sst s2  }
0xb: {  	[smem:$0x3FA8] =	sst s3  }
0xc: {  	[smem:$0x3FA9] =	sst s4  }
0xd: {  	[smem:$0x3FAA] =	sst s5  }
0xe: {  	[smem:$0x3FAB] =	sst s6  }
0xf: {  	[smem:$0x3FAC] =	sst s7  }
0x10: {  	[smem:$0x3FAD] =	sst s8  }
0x11: {  	[smem:$0x3FAE] =	sst s9;
	s0 =	simm.s32 @!p0 $0x0  }
0x12: {  	s1 =	sld [smem:$0x3F94];
	s0 =	simm.s32 @p0 $0x1  }
0x13: {  	[smem:$0x3FAF] =	sst s0;
	s0 =	simm.s32 @!p1 $0x0  }
0x14: {  	s2 =	sld [smem:$0x3F93];
	s0 =	simm.s32 @p1 $0x1  }
0x15: {  	[smem:$0x3FB0] =	sst s0;
	s0 =	simm.s32 @!p2 $0x0  }
0x16: {  	s3 =	sld [smem:$0x3FDB];
	s0 =	simm.s32 @p2 $0x1  }
0x17: {  	s4 =	simm.s32 $0x1BF5;
	[smem:$0x3FB2] =	sst s0  }
0x18: {  	s0 =	sld [smem:$0x3F95];
	_ =	swait.ge [sflag:s4], $0x0  }
0x19: {  	s7 =	sld [smem:$0x3F96]  }
0x1a: {  	s8 =	sadd.s32 $0xFFFFE003, lr  }
0x1b: {  	s9 =	sadd.s32 $0xFFFFFEF7, lr;
	s5 =	simm.s32 $0xFFFFFFFF;
	p2 =	slt.u32 s8, $0xFFFFF086  }
0x1c: {  	p1 =	slt.u32 s9, $0xF7A;
	s5 =	simm.s32 @!p2 $0x0  }
0x1d: {  	s5 =	simm.s32 @p1 $0x1;
	p0 =	seq.s32 s7, s2  }
0x1e: {  	s7 =	smul.u32 @!p0 $0xF7A, s2;
	p2 =	seq.s32 @!p0 s5, $0x0  }
0x1f: {  	s9 =	smul.u32 $0xF7A, s1;
	s8 =	simm.s32 @!p0 $0x1BF5;
	p2 =	por !p2, p0  }
0x20: {  	[sflag:s8] =	ssyncset.s32 @!p0 $0xFFFFF086;
	s6 =	sadd.s32 @!p0 s3, s7;
	s7 =	simm.s32 @!p0 $0x108  }
0x21: {  	s3 =	sadd.s32 s3, s9;
	s6 =	sadd.s32 @!p0 $0x88, s6;
	s7 =	simm.s32 @p2 $0x1082  }
0x22: {  	[simem:s7], [sflag:s8] =	dma.local @!p0 [hbm:s6], $0xF7A  }
0x23: {  	s9 =	sor.u32 $0xD0000000, s2;
	s6 =	simm.s32 $0x108;
	_ =	swait.ge @!p0 [sflag:s8], $0x0  }
0x24: {  	s3 =	sadd.s32 $0x88, s3;
	s6 =	simm.s32 @!p1 $0x1082;
	[sflag:s4] =	ssyncset.s32 $0xFFFFF086  }
0x25: {  	[simem:s6], [sflag:s4] =	dma.local [hbm:s3], $0xF7A  }
0x26: {  	[smem:$0x3F96] =	sst s1;
	(tag) =	ssettag s2;
	_ =	strace s9  }
0x27: {  	s1 =	sld [smem:$0x3FA6]  }
0x28: {  	s2 =	sld [smem:$0x3FA7]  }
0x29: {  	s4 =	sld [smem:$0x3FA9]  }
0x2a: {  	p0 =	seq.s32 s5, $0x0;
	s5 =	sld [smem:$0x3FAA]  }
0x2b: {  	s6 =	sld [smem:$0x3FAB]  }
0x2c: {  	s7 =	sld [smem:$0x3FAC]  }
0x2d: {  	s3 =	simm.s32 $0x108;
	s8 =	sld [smem:$0x3FAD]  }
0x2e: {  	s3 =	simm.s32 @!p0 $0x1082;
	s9 =	sld [smem:$0x3FAE]  }
0x2f: {  	lr =	sadd.s32 s0, s3;
	s0 =	sld [smem:$0x3FA5]  }
0x30: {  	s3 =	sld [smem:$0x3FA8]  }
0x31: {  	[smem:$0x3FB1] =	sst s10  }
0x32: {  	s10 =	sld [smem:$0x3FAF];
	_ =	sdelay $0x3  }
0x33: {  	p0 =	seq.s32 s10, $0x1;
	s10 =	sld [smem:$0x3FB1];
	_ =	sdelay $0x3  }
0x34: {  	[smem:$0x3FB1] =	sst s10  }
0x35: {  	s10 =	sld [smem:$0x3FB0];
	_ =	sdelay $0x3  }
0x36: {  	p1 =	seq.s32 s10, $0x1;
	s10 =	sld [smem:$0x3FB1];
	_ =	sdelay $0x3  }
0x37: {  	[smem:$0x3FB1] =	sst s10  }
0x38: {  	s10 =	sld [smem:$0x3FB2]  }
0x39: {  	_ = 	snop;
	(pc) =	sbr.ind lr, $3  }
0x3a: {  	_ = 	snop  }
0x3b: {  	_ = 	snop  }
0x3c: {  	p2 =	seq.s32 s10, $0x1;
	s10 =	sld [smem:$0x3FB1]  }
0x3d: {  	_ =	shalt  }
0x3e: {  	_ =	shalt  }
0x3f: {  	_ =	shalt  }
0x40: {  	_ =	shalt  }
0x41: {  	_ =	shalt  }
0x42: {  	_ =	shalt  }
0x43: {  	_ =	shalt  }
0x44: {  	_ =	shalt  }
0x45: {  	_ =	shalt  }
0x46: {  	_ =	shalt  }
0x47: {  	_ =	shalt  }
0x48: {  	_ =	shalt  }
0x49: {  	_ =	shalt  }
0x4a: {  	_ =	shalt  }
0x4b: {  	_ =	shalt  }
0x4c: {  	_ =	shalt  }
0x4d: {  	_ =	shalt  }
0x4e: {  	_ =	shalt  }
0x4f: {  	_ =	shalt  }
0x50: {  	_ =	shalt  }
0x51: {  	_ =	shalt  }
0x52: {  	_ =	shalt  }
0x53: {  	_ =	shalt  }
0x54: {  	_ =	shalt  }
0x55: {  	_ =	shalt  }
0x56: {  	_ =	shalt  }
0x57: {  	_ =	shalt  }
0x58: {  	_ =	shalt  }
0x59: {  	_ =	shalt  }
0x5a: {  	_ =	shalt  }
0x5b: {  	_ =	shalt  }
0x5c: {  	_ =	shalt  }
0x5d: {  	_ =	shalt  }
0x5e: {  	_ =	shalt  }
0x5f: {  	_ =	shalt  }
0x60: {  	_ =	shalt  }
0x61: {  	_ =	shalt  }
0x62: {  	_ =	shalt  }
0x63: {  	_ =	shalt  }
0x64: {  	_ =	shalt  }
0x65: {  	_ =	shalt  }
0x66: {  	_ =	shalt  }
0x67: {  	_ =	shalt  }
0x68: {  	_ =	shalt  }
0x69: {  	_ =	shalt  }
0x6a: {  	_ =	shalt  }
0x6b: {  	_ =	shalt  }
0x6c: {  	_ =	shalt  }
0x6d: {  	_ =	shalt  }
0x6e: {  	_ =	shalt  }
0x6f: {  	_ =	shalt  }
0x70: {  	_ =	shalt  }
0x71: {  	_ =	shalt  }
0x72: {  	_ =	shalt  }
0x73: {  	_ =	shalt  }
0x74: {  	_ =	shalt  }
0x75: {  	_ =	shalt  }
0x76: {  	_ =	shalt  }
0x77: {  	_ =	shalt  }
0x78: {  	_ =	shalt  }
0x79: {  	_ =	shalt  }
0x7a: {  	_ =	shalt  }
0x7b: {  	_ =	shalt  }
0x7c: {  	_ =	shalt  }
0x7d: {  	_ =	shalt  }
0x7e: {  	_ =	shalt  }
0x7f: {  	_ =	shalt  }
0x80: {  	_ =	shalt  }
0x81: {  	_ =	shalt  }
0x82: {  	_ =	shalt  }
0x83: {  	_ =	shalt  }
0x84: {  	_ =	shalt  }
0x85: {  	_ =	shalt  }
0x86: {  	_ =	shalt  }
0x87: {  	_ =	shalt  }
.Lfunc_end0:
.L_simem_size_0:
called_computation.2_lowered:
.L_overlay_start_0:
0x88: {  	s2 =	sld [smem:$0x3FD9]  }
0x89: {  	s3 =	sld [smem:$0x3FFE];
	_ =	sdelay $0x1  }
0x8a: {  	s1 =	srdreg.scid  }
0x8b: {  	s0 =	sand.u32 $0x1, s1  }
0x8c: {  	s16 =	sshll.u32 s0, $0xA;
	s2 =	sadd.s32 s3, s2  }
0x8d: {  	s2 =	sadd.s32 s2, s16  }
0x8e: {  	[smem:$0x3FBD] =	sst s2  }
0x8f: {  	_ = 	snop  }
0x90: {  	(tm) =	ssettm $0x1  }
0x91: {  	s17 =	sld [smem:$0x3FFB];
	_ =	sdelay $0x3  }
0x92: {  	_ =	strace s17  }
0x93: {  	s2 =	sld [smem:$0x3FFC];
	_ =	sdelay $0x3  }
0x94: {  	_ =	strace s2  }
0x95: {  	s2 =	sld [smem:$0x3FFD];
	_ =	sdelay $0x3  }
0x96: {  	_ =	strace s2  }
0x97: {  	_ =	strace $0x8FFFFFFF  }
0x98: {  	s18 =	sld [smem:$0x3FDB];
	_ =	sdelay $0x1  }
0x99: {  	s19 =	simm.s32 $_scs_section_size  }
0x9a: {  	s4 =	simm.s32 $_size__tile_overlayer_lowered;
	s5 =	simm.s32 $_tile_overlayer_lowered  }
0x9b: {  	s22 =	simm.s32 $0x1BFF;
	s21 =	sshll.u32 s5, $0x1;
	s2 =	sadd.s32 s19, s18  }
0x9c: {  	s6 =	simm.s32 $0x0;
	s20 =	sshll.u32 s4, $0x1;
	s4 =	sadd.s32 s21, s2  }
0x9d: {  	[timem:s6], [sflag:s22] =	dma.local [hbm:s4], s20  }
0x9e: {  	_ =	swait.ge [sflag:s22], s20  }
0x9f: {  	s3 =	ssub.s32 $0x0, s20;
	[sflag:s22] =	ssyncset.done $0x0  }
0xa0: {  	[sflag:s22] =	ssyncadd.s32 s3;
	_ =	sdelay $0x1  }
0xa1: {  	s23 =	simm.s32 $0x1B8B  }
0xa2: {  	_ =	swait.ge [sflag:s23], $0x1  }
0xa3: {  	[sflag:s23] =	ssyncset.done $0x0  }
0xa4: {  	s25 =	simm.s32 $0x1B8E;
	s24 =	sld [smem:$0x3FFE];
	[sflag:s23] =	ssyncadd.s32 $0xFFFFFFFF  }
0xa5: {  	s26 =	simm.s32 $execute0_lowered;
	[smem:$0x3FD2] =	sst s25  }
0xa6: {  	s4 =	sshll.u32 s26, $0x1;
	_ =	strace $0x8000004C;
	[dreg:$0x1] =	wrdreg $0xFFFFFFFF  }
0xa7: {  	s28 =	simm.s32 $_size_execute0_lowered;
	s2 =	sadd.s32 s2, s4;
	[dreg:$0x0] =	wrdreg $0x0  }
0xa8: {  	s4 =	sshll.u32 s28, $0x1;
	[dreg:$0x2] =	wrdreg s2  }
0xa9: {  	[dreg:$0x3] =	wrdreg s4  }
0xaa: {  	[dreg:$0x4] =	wrdreg $0xC0  }
0xab: {  	_ =	task [dreg:s6], $0x5FFFF  }
0xac: {  	[dreg:$0x1] =	wrdreg $0xFFFFFFFF  }
0xad: {  	[dreg:$0x0] =	wrdreg $0x60  }
0xae: {  	[dreg:$0x2] =	wrdreg s24  }
0xaf: {  	[dreg:$0x3] =	wrdreg $0x9  }
0xb0: {  	_ =	task.clear_ibuf [dreg:s6], $0x4FFFF;
	_ =	strace $0x9000004C  }
0xb1: {  	s29 =	simm.s32 $0x9;
	_ =	strace $0x8000004E  }
0xb2: {  	_ =	swait.ge [sflag:s29], $0x1  }
0xb3: {  	[sflag:s29] =	ssyncadd.s32 $0xFFFFFFFF  }
0xb4: {  	_ =	strace $0x9000004E  }
0xb5: {  	_ =	sfence  }
0xb6: {  	s30 =	sld [smem:$0x0];
	_ =	sdelay $0x2  }
0xb7: {  	s31 =	sshll.u32 s1, $0xD;
	s1 =	sshrl.u32 s1, $0x2  }
0xb8: {  	s3 =	sand.u32 $0x4000, s31;
	s1 =	sadd.s32 s1, s30  }
0xb9: {  	s0 =	sor.u32 s3, s0;
	s1 =	sshll.u32 s1, $0x11  }
0xba: {  	s0 =	sor.u32 s1, s0  }
0xbb: {  	s0 =	sadd.s32 $0x8F2B, s0  }
0xbc: {  	[sflag:s0] =	ssyncadd.remote.s32 $0x1  }
0xbd: {  	_ =	sfence.sel $0xFFFF  }
0xbe: {  	[dreg:$0x0] =	wrdreg $0xFFFFFFFF;
	(pc) =	sbr.abs _section_cstart, $3  }
0xbf: {  	[dreg:$0x1] =	wrdreg $0xFFFFFFFF  }
0xc0: {  	_ =	task.clear_ibuf [dreg:s6], $0x2FFFF;
	_ =	strace $0x9FFFFFFF  }
0xc1: {  	(tm) =	ssettm $0x7FFFFFFF  }
tec
execute0_lowered:
.L_overlay_start_1:
0x0: {  	(tag) =	ssettag $0x1  }
0x1: {  	s6 =	rddreg [dreg:$0x0]  }
0x2: {  	s0 =	rddreg [dreg:$0x1];
	s2 =	simm.s32 $0x0;
	s3 =	srdreg.scid  }
0x3: {  	s1 =	stileid.u32;
	s9 =	simm.s32 $0x80;
	s10 =	simm.s32 $0x400  }
0x4: {  	s11 =	simm.s32 $0x1;
	s12 =	simm.s32 $0x14000;
	s13 =	simm.s32 $0x14800  }
0x5: {  	s14 =	simm.s32 $0x15000;
	s15 =	simm.s32 $0xA000;
	s16 =	simm.s32 $0x0  }
0x6: {  	s5 =	sand.u32 $0x1, s3;
	s29 =	sshrl.u32 s1, $0x2;
	s4 =	sshll.u32 s1, $0x8  }
0x7: {  	s7 =	smul.u32 $0x50000, s29;
	s30 =	sshll.u32 s5, $0x7;
	s4 =	sand.u32 $0x300, s4  }
0x8: {  	[smem:$0x7FF] =	sst s2;
	s3 =	sadd.s32 $0x160A00, s6;
	s4 =	sor.u32 s30, s4  }
0x9: {  	_ =	strace $0x8000004D;
	s8 =	ssub.s32 $0x2, s5;
	s7 =	sor.u32 s7, s4  }
0xa: {  	s5 =	sadd.s32 $0x16600, s6;
	s31 =	sshrl.u32 s8, $0x1;
	s7 =	sshrl.u32 s7, $0x3  }
0xb: {  	s4 =	sadd.s32 $0xC800, s6;
	s8 =	ssub.s32 s8, s31;
	s7 =	sadd.s32 s7, s6  }
0xc: {  	v0 =	vimm.f32 $0.0e+00;
	s8 =	smax.u32 s8, $0x1;
	s6 =	sadd.s32 $0x48400, s7;
	s7 =	sadd.s32 $0x70400, s7  }
.LBB2_1:
0xd: {  	[tilespmem:s2], [sflag:$0x1] =	stream.strided.gather [hbm4b:s6+s9], $0xA000, s10, s9, $0x38;
	[tilespmem:$0x15800] =	vst v63  }
0xe: {  	_ =	swait.ge [sflag:s11], $0xA000  }
0xf: {  	[sflag:s11] =	ssyncset.done $0x0  }
0x10: {  	s17 =	simm.s32 $0x40;
	s18 =	simm.s32 $0x0;
	[sflag:s11] =	ssyncadd.s32 $0xFFFF6000  }
.LBB2_2:
0x11: {  	p0 =	sne.s32 s17, $0x27FC0;
	[tilespmem:s18+$0xA000] =	vst v0;
	s18 =	smov.u32 s17;
	s17 =	sadd.s32 $0x40, s17  }
.Ltmp0:
0x12: {  	(pc) =	sbr.rel @p0 .LBB2_2-.Ltmp0, $2  }
0x13: {  	_ =	sdelay $0x2  }
0x14: {  	s18 =	sshra.s32 s18, $0x2  }
0x15: {  	[tilespmem:s18+$0xA000] =	vst v0;
	s17 =	simm.s32 $0x0;
	s18 =	simm.s32 $0x0  }
.LBB2_4:
0x16: {  	s19 =	sshll.u32 s18, $0x8  }
0x17: {  	s20 =	sadd.s32 s3, s19  }
0x18: {  	[tilespmem:s12], [sflag:$0x1] =	stream.linear.gather [hbm4b:s20+s17], $0x800, $0x38;
	[tilespmem:$0x15800] =	vst v63  }
0x19: {  	_ =	swait.ge [sflag:s11], $0x800  }
0x1a: {  	[sflag:s11] =	ssyncset.done $0x0  }
0x1b: {  	s31 =	sadd.s32 s4, s19;
	[sflag:s11] =	ssyncadd.s32 $0xFFFFF800  }
0x1c: {  	[tilespmem:s13], [sflag:$0x1] =	stream.linear.gather [hbm4b:s31+s17], $0x800, $0x38;
	[tilespmem:$0x15800] =	vst v63  }
0x1d: {  	_ =	swait.ge [sflag:s11], $0x800  }
0x1e: {  	[sflag:s11] =	ssyncset.done $0x0  }
0x1f: {  	s19 =	sadd.s32 s5, s19;
	[sflag:s11] =	ssyncadd.s32 $0xFFFFF800  }
0x20: {  	[tilespmem:s14], [sflag:$0x1] =	stream.linear.gather [hbm4b:s19+s17], $0x800, $0x38;
	[tilespmem:$0x15800] =	vst v63  }
0x21: {  	_ =	swait.ge [sflag:s11], $0x800  }
0x22: {  	[sflag:s11] =	ssyncset.done $0x0  }
0x23: {  	s20 =	simm.s32 $0x0;
	s19 =	simm.s32 $0x40;
	[sflag:s11] =	ssyncadd.s32 $0xFFFFF800  }
.LBB2_5:
0x24: {  	p0 =	sne.s32 s19, $0x1FC0;
	v1 =	vld [tilespmem:s20+$0x14000]  }
0x25: {  	v2 =	vld [tilespmem:s20+$0x14800]  }
0x26: {  	v3 =	vld [tilespmem:s20+$0x15000];
	_ =	sdelay $0x2  }
0x27: {  	v1 =	vshll.u32 v1, $0x2;
	_ =	sdelay $0x4  }
0x28: {  	v4 =	vld.idx.msk [tilespmem:v1+s2+$0x0], $0xffff;
	_ =	sdelay $0x2  }
0x29: {  	v2 =	vshll.u32 v2, $0x2  }
0x2a: {  	v5 =	vor.u32 $0x1, v1;
	_ =	sdelay $0x1  }
0x2b: {  	v4 =	vmul.f32 v4, v3;
	_ =	sdelay $0x1  }
0x2c: {  	[tilespmem:v2+s15+$0x0] =	vst.idx.add.f32.msk $0xffff, v4  }
0x2d: {  	v4 =	vld.idx.msk [tilespmem:v5+s2+$0x0], $0xffff;
	_ =	sdelay $0x2  }
0x2e: {  	v5 =	vor.u32 $0x1, v2  }
0x2f: {  	v6 =	vor.u32 $0x2, v1;
	_ =	sdelay $0x1  }
0x30: {  	v4 =	vmul.f32 v4, v3;
	_ =	sdelay $0x1  }
0x31: {  	[tilespmem:v5+s15+$0x0] =	vst.idx.add.f32.msk $0xffff, v4  }
0x32: {  	v4 =	vld.idx.msk [tilespmem:v6+s2+$0x0], $0xffff;
	_ =	sdelay $0x2  }
0x33: {  	v5 =	vor.u32 $0x2, v2  }
0x34: {  	v1 =	vor.u32 $0x3, v1;
	_ =	sdelay $0x1  }
0x35: {  	v4 =	vmul.f32 v4, v3;
	_ =	sdelay $0x1  }
0x36: {  	[tilespmem:v5+s15+$0x0] =	vst.idx.add.f32.msk $0xffff, v4  }
0x37: {  	v1 =	vld.idx.msk [tilespmem:v1+s2+$0x0], $0xffff;
	_ =	sdelay $0x2  }
0x38: {  	v2 =	vor.u32 $0x3, v2  }
.Ltmp1:
0x39: {  	(pc) =	sbr.rel @p0 .LBB2_5-.Ltmp1, $3  }
0x3a: {  	_ = 	snop  }
0x3b: {  	v1 =	vmul.f32 v1, v3;
	_ =	sdelay $0x1  }
0x3c: {  	s20 =	sshra.s32 s19, $0x2;
	s19 =	sadd.s32 $0x40, s19;
	[tilespmem:v2+s15+$0x0] =	vst.idx.add.f32.msk $0xffff, v1  }
0x3d: {  	v1 =	vld [tilespmem:s20+$0x14000];
	_ =	sdelay $0x4  }
0x3e: {  	v1 =	vshll.u32 v1, $0x2;
	_ =	sdelay $0x1  }
0x3f: {  	v2 =	vld [tilespmem:s20+$0x14800];
	_ =	sdelay $0x1  }
0x40: {  	v3 =	vld [tilespmem:s20+$0x15000]  }
0x41: {  	v4 =	vld.idx.msk [tilespmem:v1+s2+$0x0], $0xffff;
	_ =	sdelay $0x1  }
0x42: {  	v2 =	vshll.u32 v2, $0x2  }
0x43: {  	v5 =	vor.u32 $0x1, v1;
	_ =	sdelay $0x1  }
0x44: {  	v4 =	vmul.f32 v4, v3;
	_ =	sdelay $0x1  }
0x45: {  	[tilespmem:v2+s15+$0x0] =	vst.idx.add.f32.msk $0xffff, v4  }
0x46: {  	v4 =	vld.idx.msk [tilespmem:v5+s2+$0x0], $0xffff;
	_ =	sdelay $0x1  }
0x47: {  	v62 =	vor.u32 $0x1, v2  }
0x48: {  	v6 =	vor.u32 $0x2, v1;
	_ =	sdelay $0x1  }
0x49: {  	v4 =	vmul.f32 v4, v3;
	_ =	sdelay $0x1  }
0x4a: {  	[tilespmem:v62+s15+$0x0] =	vst.idx.add.f32.msk $0xffff, v4  }
0x4b: {  	v4 =	vld.idx.msk [tilespmem:v6+s2+$0x0], $0xffff;
	_ =	sdelay $0x1  }
0x4c: {  	v63 =	vor.u32 $0x2, v2  }
0x4d: {  	v1 =	vor.u32 $0x3, v1;
	_ =	sdelay $0x1  }
0x4e: {  	v4 =	vmul.f32 v4, v3;
	_ =	sdelay $0x1  }
0x4f: {  	[tilespmem:v63+s15+$0x0] =	vst.idx.add.f32.msk $0xffff, v4  }
0x50: {  	v1 =	vld.idx.msk [tilespmem:v1+s2+$0x0], $0xffff  }
0x51: {  	s18 =	sadd.s32 $0x1, s18  }
0x52: {  	p0 =	sne.s32 s18, $0x9E;
	v2 =	vor.u32 $0x3, v2  }
.Ltmp2:
0x53: {  	_ = 	snop;
	(pc) =	sbr.rel @p0 .LBB2_4-.Ltmp2, $3  }
0x54: {  	_ = 	snop  }
0x55: {  	v1 =	vmul.f32 v1, v3;
	_ =	sdelay $0x1  }
0x56: {  	[tilespmem:v2+s15+$0x0] =	vst.idx.add.f32.msk $0xffff, v1  }
0x57: {  	s16 =	sadd.s32 $0x1, s16  }
0x58: {  	p0 =	sne.s32 s16, s8  }
.Ltmp3:
0x59: {  	_ = 	snop;
	(pc) =	sbr.rel @p0 .LBB2_1-.Ltmp3, $4  }
0x5a: {  	[hbm4b:s7+s9] =	stream.strided.scatter [tilespmem:s15], [sflag:$0x1], $0xA000, s10, s9, $0x38;
	[tilespmem:$0x15800] =	vst v63  }
0x5b: {  	_ =	swait.ge [sflag:s11], $0xA000  }
0x5c: {  	[sflag:s11] =	ssyncset.done $0x0  }
0x5d: {  	[sflag:s11] =	ssyncadd.s32 $0xFFFF6000  }
0x5e: {  	_ =	sfence.sel $0x180000  }
0x5f: {  	[bflag:$0x0] =	sbarrier.arrive $0xFFFF  }
0x60: {  	p0 =	sne.s32 s1, $0x0;
	_ =	strace $0x9000004D  }
0x61: {  	s0 =	sadd.s32 @!p0 $0x100000, s0;
	[bflag:$0x2] =	sbarrier.arrive $0xFFFF  }
0x62: {  	[sflag:s0] =	ssyncadd.tile.s32 @!p0 $0x1;
	_ =	shalt  }
.Lfunc_end2:
_tile_overlayer_lowered:
.L_overlay_start_2:
0x63: {  	(tag) =	ssettag $0x2  }
0x64: {  	s0 =	rddreg [dreg:$0x0];
	s2 =	stileid.u32  }
0x65: {  	s1 =	rddreg [dreg:$0x1];
	p0 =	sne.s32 s2, $0x0  }
0x66: {  	s3 =	rddreg [dreg:$0x2];
	[bflag:$0x3] =	sbarrier.arrive $0xFFFF;
	s2 =	simm.s32 @!p0 $0x1C01  }
0x67: {  	[timem:s3], [sflag:s2] =	dma.local @!p0 [hbm:s0], s1  }
0x68: {  	s0 =	simm.s32 @!p0 $0x1  }
0x69: {  	_ =	swait.ge @!p0 [sflag:s0], s1  }
0x6a: {  	s1 =	ssub.s32 @!p0 $0x0, s1;
	[sflag:s0] =	ssyncset.done @!p0 $0x0  }
0x6b: {  	[sflag:s0] =	ssyncadd.s32 @!p0 s1  }
0x6c: {  	[bflag:$0x3] =	sbarrier.arrive $0xFFFF  }
0x6d: {  	_ =	shalt  }

// kernel: kernel.19.cloned.1.call-start
scs
__scs_entry_jumppad:
0x0: {  	(pc) =	sbr.rel $0x88, $3  }
0x1: {  	(tag) =	ssettag $0x0;
	lr =	simm.s32 $0x1  }
0x2: {  	[smem:$0x3F96] =	sst lr;
	_ =	strace $0xD0000000  }
0x3: {  	_ = 	snop  }
0x4: {  	_ = 	snop  }
0x5: {  	_ = 	snop  }
0x6: {  	_ = 	snop  }
0x7: {  	_ = 	snop  }
__scs_overlays_trampoline_lowered:
0x8: {  	[smem:$0x3FA5] =	sst s0  }
0x9: {  	[smem:$0x3FA6] =	sst s1  }
0xa: {  	[smem:$0x3FA7] =	sst s2  }
0xb: {  	[smem:$0x3FA8] =	sst s3  }
0xc: {  	[smem:$0x3FA9] =	sst s4  }
0xd: {  	[smem:$0x3FAA] =	sst s5  }
0xe: {  	[smem:$0x3FAB] =	sst s6  }
0xf: {  	[smem:$0x3FAC] =	sst s7  }
0x10: {  	[smem:$0x3FAD] =	sst s8  }
0x11: {  	[smem:$0x3FAE] =	sst s9;
	s0 =	simm.s32 @!p0 $0x0  }
0x12: {  	s1 =	sld [smem:$0x3F94];
	s0 =	simm.s32 @p0 $0x1  }
0x13: {  	[smem:$0x3FAF] =	sst s0;
	s0 =	simm.s32 @!p1 $0x0  }
0x14: {  	s2 =	sld [smem:$0x3F93];
	s0 =	simm.s32 @p1 $0x1  }
0x15: {  	[smem:$0x3FB0] =	sst s0;
	s0 =	simm.s32 @!p2 $0x0  }
0x16: {  	s3 =	sld [smem:$0x3FDB];
	s0 =	simm.s32 @p2 $0x1  }
0x17: {  	s4 =	simm.s32 $0x1BF5;
	[smem:$0x3FB2] =	sst s0  }
0x18: {  	s0 =	sld [smem:$0x3F95];
	_ =	swait.ge [sflag:s4], $0x0  }
0x19: {  	s7 =	sld [smem:$0x3F96]  }
0x1a: {  	s8 =	sadd.s32 $0xFFFFE003, lr  }
0x1b: {  	s9 =	sadd.s32 $0xFFFFFEF7, lr;
	s5 =	simm.s32 $0xFFFFFFFF;
	p2 =	slt.u32 s8, $0xFFFFF086  }
0x1c: {  	p1 =	slt.u32 s9, $0xF7A;
	s5 =	simm.s32 @!p2 $0x0  }
0x1d: {  	s5 =	simm.s32 @p1 $0x1;
	p0 =	seq.s32 s7, s2  }
0x1e: {  	s7 =	smul.u32 @!p0 $0xF7A, s2;
	p2 =	seq.s32 @!p0 s5, $0x0  }
0x1f: {  	s9 =	smul.u32 $0xF7A, s1;
	s8 =	simm.s32 @!p0 $0x1BF5;
	p2 =	por !p2, p0  }
0x20: {  	[sflag:s8] =	ssyncset.s32 @!p0 $0xFFFFF086;
	s6 =	sadd.s32 @!p0 s3, s7;
	s7 =	simm.s32 @!p0 $0x108  }
0x21: {  	s3 =	sadd.s32 s3, s9;
	s6 =	sadd.s32 @!p0 $0x88, s6;
	s7 =	simm.s32 @p2 $0x1082  }
0x22: {  	[simem:s7], [sflag:s8] =	dma.local @!p0 [hbm:s6], $0xF7A  }
0x23: {  	s9 =	sor.u32 $0xD0000000, s2;
	s6 =	simm.s32 $0x108;
	_ =	swait.ge @!p0 [sflag:s8], $0x0  }
0x24: {  	s3 =	sadd.s32 $0x88, s3;
	s6 =	simm.s32 @!p1 $0x1082;
	[sflag:s4] =	ssyncset.s32 $0xFFFFF086  }
0x25: {  	[simem:s6], [sflag:s4] =	dma.local [hbm:s3], $0xF7A  }
0x26: {  	[smem:$0x3F96] =	sst s1;
	(tag) =	ssettag s2;
	_ =	strace s9  }
0x27: {  	s1 =	sld [smem:$0x3FA6]  }
0x28: {  	s2 =	sld [smem:$0x3FA7]  }
0x29: {  	s4 =	sld [smem:$0x3FA9]  }
0x2a: {  	p0 =	seq.s32 s5, $0x0;
	s5 =	sld [smem:$0x3FAA]  }
0x2b: {  	s6 =	sld [smem:$0x3FAB]  }
0x2c: {  	s7 =	sld [smem:$0x3FAC]  }
0x2d: {  	s3 =	simm.s32 $0x108;
	s8 =	sld [smem:$0x3FAD]  }
0x2e: {  	s3 =	simm.s32 @!p0 $0x1082;
	s9 =	sld [smem:$0x3FAE]  }
0x2f: {  	lr =	sadd.s32 s0, s3;
	s0 =	sld [smem:$0x3FA5]  }
0x30: {  	s3 =	sld [smem:$0x3FA8]  }
0x31: {  	[smem:$0x3FB1] =	sst s10  }
0x32: {  	s10 =	sld [smem:$0x3FAF];
	_ =	sdelay $0x3  }
0x33: {  	p0 =	seq.s32 s10, $0x1;
	s10 =	sld [smem:$0x3FB1];
	_ =	sdelay $0x3  }
0x34: {  	[smem:$0x3FB1] =	sst s10  }
0x35: {  	s10 =	sld [smem:$0x3FB0];
	_ =	sdelay $0x3  }
0x36: {  	p1 =	seq.s32 s10, $0x1;
	s10 =	sld [smem:$0x3FB1];
	_ =	sdelay $0x3  }
0x37: {  	[smem:$0x3FB1] =	sst s10  }
0x38: {  	s10 =	sld [smem:$0x3FB2]  }
0x39: {  	_ = 	snop;
	(pc) =	sbr.ind lr, $3  }
0x3a: {  	_ = 	snop  }
0x3b: {  	_ = 	snop  }
0x3c: {  	p2 =	seq.s32 s10, $0x1;
	s10 =	sld [smem:$0x3FB1]  }
0x3d: {  	_ =	shalt  }
0x3e: {  	_ =	shalt  }
0x3f: {  	_ =	shalt  }
0x40: {  	_ =	shalt  }
0x41: {  	_ =	shalt  }
0x42: {  	_ =	shalt  }
0x43: {  	_ =	shalt  }
0x44: {  	_ =	shalt  }
0x45: {  	_ =	shalt  }
0x46: {  	_ =	shalt  }
0x47: {  	_ =	shalt  }
0x48: {  	_ =	shalt  }
0x49: {  	_ =	shalt  }
0x4a: {  	_ =	shalt  }
0x4b: {  	_ =	shalt  }
0x4c: {  	_ =	shalt  }
0x4d: {  	_ =	shalt  }
0x4e: {  	_ =	shalt  }
0x4f: {  	_ =	shalt  }
0x50: {  	_ =	shalt  }
0x51: {  	_ =	shalt  }
0x52: {  	_ =	shalt  }
0x53: {  	_ =	shalt  }
0x54: {  	_ =	shalt  }
0x55: {  	_ =	shalt  }
0x56: {  	_ =	shalt  }
0x57: {  	_ =	shalt  }
0x58: {  	_ =	shalt  }
0x59: {  	_ =	shalt  }
0x5a: {  	_ =	shalt  }
0x5b: {  	_ =	shalt  }
0x5c: {  	_ =	shalt  }
0x5d: {  	_ =	shalt  }
0x5e: {  	_ =	shalt  }
0x5f: {  	_ =	shalt  }
0x60: {  	_ =	shalt  }
0x61: {  	_ =	shalt  }
0x62: {  	_ =	shalt  }
0x63: {  	_ =	shalt  }
0x64: {  	_ =	shalt  }
0x65: {  	_ =	shalt  }
0x66: {  	_ =	shalt  }
0x67: {  	_ =	shalt  }
0x68: {  	_ =	shalt  }
0x69: {  	_ =	shalt  }
0x6a: {  	_ =	shalt  }
0x6b: {  	_ =	shalt  }
0x6c: {  	_ =	shalt  }
0x6d: {  	_ =	shalt  }
0x6e: {  	_ =	shalt  }
0x6f: {  	_ =	shalt  }
0x70: {  	_ =	shalt  }
0x71: {  	_ =	shalt  }
0x72: {  	_ =	shalt  }
0x73: {  	_ =	shalt  }
0x74: {  	_ =	shalt  }
0x75: {  	_ =	shalt  }
0x76: {  	_ =	shalt  }
0x77: {  	_ =	shalt  }
0x78: {  	_ =	shalt  }
0x79: {  	_ =	shalt  }
0x7a: {  	_ =	shalt  }
0x7b: {  	_ =	shalt  }
0x7c: {  	_ =	shalt  }
0x7d: {  	_ =	shalt  }
0x7e: {  	_ =	shalt  }
0x7f: {  	_ =	shalt  }
0x80: {  	_ =	shalt  }
0x81: {  	_ =	shalt  }
0x82: {  	_ =	shalt  }
0x83: {  	_ =	shalt  }
0x84: {  	_ =	shalt  }
0x85: {  	_ =	shalt  }
0x86: {  	_ =	shalt  }
0x87: {  	_ =	shalt  }
.Lfunc_end0:
.L_simem_size_0:
called_computation.3_lowered:
.L_overlay_start_0:
0x88: {  	s2 =	sld [smem:$0x3FD9]  }
0x89: {  	s3 =	sld [smem:$0x3FFE];
	_ =	sdelay $0x1  }
0x8a: {  	s1 =	srdreg.scid  }
0x8b: {  	s0 =	sand.u32 $0x1, s1  }
0x8c: {  	s16 =	sshll.u32 s0, $0xA;
	s2 =	sadd.s32 s3, s2  }
0x8d: {  	s2 =	sadd.s32 s2, s16  }
0x8e: {  	[smem:$0x3FBD] =	sst s2  }
0x8f: {  	_ = 	snop  }
0x90: {  	(tm) =	ssettm $0x1  }
0x91: {  	s17 =	sld [smem:$0x3FFB];
	_ =	sdelay $0x3  }
0x92: {  	_ =	strace s17  }
0x93: {  	s2 =	sld [smem:$0x3FFC];
	_ =	sdelay $0x3  }
0x94: {  	_ =	strace s2  }
0x95: {  	s2 =	sld [smem:$0x3FFD];
	_ =	sdelay $0x3  }
0x96: {  	_ =	strace s2  }
0x97: {  	_ =	strace $0x8FFFFFFF  }
0x98: {  	s18 =	sld [smem:$0x3FDB];
	_ =	sdelay $0x1  }
0x99: {  	s19 =	simm.s32 $_scs_section_size  }
0x9a: {  	s4 =	simm.s32 $_size__tile_overlayer_lowered;
	s5 =	simm.s32 $_tile_overlayer_lowered  }
0x9b: {  	s22 =	simm.s32 $0x1BFF;
	s21 =	sshll.u32 s5, $0x1;
	s2 =	sadd.s32 s19, s18  }
0x9c: {  	s6 =	simm.s32 $0x0;
	s20 =	sshll.u32 s4, $0x1;
	s4 =	sadd.s32 s21, s2  }
0x9d: {  	[timem:s6], [sflag:s22] =	dma.local [hbm:s4], s20  }
0x9e: {  	_ =	swait.ge [sflag:s22], s20  }
0x9f: {  	s3 =	ssub.s32 $0x0, s20;
	[sflag:s22] =	ssyncset.done $0x0  }
0xa0: {  	[sflag:s22] =	ssyncadd.s32 s3;
	_ =	sdelay $0x1  }
0xa1: {  	s23 =	simm.s32 $0x1B8B  }
0xa2: {  	_ =	swait.ge [sflag:s23], $0x1  }
0xa3: {  	[sflag:s23] =	ssyncset.done $0x0  }
0xa4: {  	s25 =	simm.s32 $0x1B8E;
	s24 =	sld [smem:$0x3FFE];
	[sflag:s23] =	ssyncadd.s32 $0xFFFFFFFF  }
0xa5: {  	s26 =	simm.s32 $execute0_lowered;
	[smem:$0x3FD2] =	sst s25  }
0xa6: {  	s4 =	sshll.u32 s26, $0x1;
	_ =	strace $0x8000004F;
	[dreg:$0x1] =	wrdreg $0xFFFFFFFF  }
0xa7: {  	s28 =	simm.s32 $_size_execute0_lowered;
	s2 =	sadd.s32 s2, s4;
	[dreg:$0x0] =	wrdreg $0x0  }
0xa8: {  	s4 =	sshll.u32 s28, $0x1;
	[dreg:$0x2] =	wrdreg s2  }
0xa9: {  	[dreg:$0x3] =	wrdreg s4  }
0xaa: {  	[dreg:$0x4] =	wrdreg $0xC0  }
0xab: {  	_ =	task [dreg:s6], $0x5FFFF  }
0xac: {  	[dreg:$0x1] =	wrdreg $0xFFFFFFFF  }
0xad: {  	[dreg:$0x0] =	wrdreg $0x60  }
0xae: {  	[dreg:$0x2] =	wrdreg s24  }
0xaf: {  	[dreg:$0x3] =	wrdreg $0x9  }
0xb0: {  	_ =	task.clear_ibuf [dreg:s6], $0x4FFFF;
	_ =	strace $0x9000004F  }
0xb1: {  	s29 =	simm.s32 $0x9;
	_ =	strace $0x80000051  }
0xb2: {  	_ =	swait.ge [sflag:s29], $0x1  }
0xb3: {  	[sflag:s29] =	ssyncadd.s32 $0xFFFFFFFF  }
0xb4: {  	_ =	strace $0x90000051  }
0xb5: {  	_ =	sfence  }
0xb6: {  	s30 =	sld [smem:$0x0];
	_ =	sdelay $0x2  }
0xb7: {  	s31 =	sshll.u32 s1, $0xD;
	s1 =	sshrl.u32 s1, $0x2  }
0xb8: {  	s3 =	sand.u32 $0x4000, s31;
	s1 =	sadd.s32 s1, s30  }
0xb9: {  	s0 =	sor.u32 s3, s0;
	s1 =	sshll.u32 s1, $0x11  }
0xba: {  	s0 =	sor.u32 s1, s0  }
0xbb: {  	s0 =	sadd.s32 $0x8F2B, s0  }
0xbc: {  	[sflag:s0] =	ssyncadd.remote.s32 $0x1  }
0xbd: {  	_ =	sfence.sel $0xFFFF  }
0xbe: {  	[dreg:$0x0] =	wrdreg $0xFFFFFFFF;
	(pc) =	sbr.abs _section_cstart, $3  }
0xbf: {  	[dreg:$0x1] =	wrdreg $0xFFFFFFFF  }
0xc0: {  	_ =	task.clear_ibuf [dreg:s6], $0x2FFFF;
	_ =	strace $0x9FFFFFFF  }
0xc1: {  	(tm) =	ssettm $0x7FFFFFFF  }
tec
execute0_lowered:
.L_overlay_start_1:
0x0: {  	(tag) =	ssettag $0x1  }
0x1: {  	s6 =	rddreg [dreg:$0x0]  }
0x2: {  	s0 =	rddreg [dreg:$0x1];
	s2 =	simm.s32 $0x0;
	s3 =	srdreg.scid  }
0x3: {  	s1 =	stileid.u32;
	s9 =	simm.s32 $0x80;
	s10 =	simm.s32 $0x400  }
0x4: {  	s11 =	simm.s32 $0x1;
	s12 =	simm.s32 $0x14000;
	s13 =	simm.s32 $0x14800  }
0x5: {  	s14 =	simm.s32 $0x15000;
	s15 =	simm.s32 $0xA000;
	s16 =	simm.s32 $0x0  }
0x6: {  	s5 =	sand.u32 $0x1, s3;
	s29 =	sshrl.u32 s1, $0x2;
	s4 =	sshll.u32 s1, $0x8  }
0x7: {  	s7 =	smul.u32 $0x50000, s29;
	s30 =	sshll.u32 s5, $0x7;
	s4 =	sand.u32 $0x300, s4  }
0x8: {  	[smem:$0x7FF] =	sst s2;
	s3 =	sadd.s32 $0x160A00, s6;
	s4 =	sor.u32 s30, s4  }
0x9: {  	_ =	strace $0x80000050;
	s8 =	ssub.s32 $0x2, s5;
	s7 =	sor.u32 s7, s4  }
0xa: {  	s5 =	sadd.s32 $0x16600, s6;
	s31 =	sshrl.u32 s8, $0x1;
	s7 =	sshrl.u32 s7, $0x3  }
0xb: {  	s4 =	sadd.s32 $0xC800, s6;
	s8 =	ssub.s32 s8, s31;
	s7 =	sadd.s32 s7, s6  }
0xc: {  	v0 =	vimm.f32 $0.0e+00;
	s8 =	smax.u32 s8, $0x1;
	s6 =	sadd.s32 $0x48400, s7;
	s7 =	sadd.s32 $0x70400, s7  }
.LBB2_1:
0xd: {  	[tilespmem:s2], [sflag:$0x1] =	stream.strided.gather [hbm4b:s6+s9], $0xA000, s10, s9, $0x38;
	[tilespmem:$0x15800] =	vst v63  }
0xe: {  	_ =	swait.ge [sflag:s11], $0xA000  }
0xf: {  	[sflag:s11] =	ssyncset.done $0x0  }
0x10: {  	s17 =	simm.s32 $0x40;
	s18 =	simm.s32 $0x0;
	[sflag:s11] =	ssyncadd.s32 $0xFFFF6000  }
.LBB2_2:
0x11: {  	p0 =	sne.s32 s17, $0x27FC0;
	[tilespmem:s18+$0xA000] =	vst v0;
	s18 =	smov.u32 s17;
	s17 =	sadd.s32 $0x40, s17  }
.Ltmp0:
0x12: {  	(pc) =	sbr.rel @p0 .LBB2_2-.Ltmp0, $2  }
0x13: {  	_ =	sdelay $0x2  }
0x14: {  	s18 =	sshra.s32 s18, $0x2  }
0x15: {  	[tilespmem:s18+$0xA000] =	vst v0;
	s17 =	simm.s32 $0x0;
	s18 =	simm.s32 $0x0  }
.LBB2_4:
0x16: {  	s19 =	sshll.u32 s18, $0x8  }
0x17: {  	s20 =	sadd.s32 s3, s19  }
0x18: {  	[tilespmem:s12], [sflag:$0x1] =	stream.linear.gather [hbm4b:s20+s17], $0x800, $0x38;
	[tilespmem:$0x15800] =	vst v63  }
0x19: {  	_ =	swait.ge [sflag:s11], $0x800  }
0x1a: {  	[sflag:s11] =	ssyncset.done $0x0  }
0x1b: {  	s31 =	sadd.s32 s4, s19;
	[sflag:s11] =	ssyncadd.s32 $0xFFFFF800  }
0x1c: {  	[tilespmem:s13], [sflag:$0x1] =	stream.linear.gather [hbm4b:s31+s17], $0x800, $0x38;
	[tilespmem:$0x15800] =	vst v63  }
0x1d: {  	_ =	swait.ge [sflag:s11], $0x800  }
0x1e: {  	[sflag:s11] =	ssyncset.done $0x0  }
0x1f: {  	s19 =	sadd.s32 s5, s19;
	[sflag:s11] =	ssyncadd.s32 $0xFFFFF800  }
0x20: {  	[tilespmem:s14], [sflag:$0x1] =	stream.linear.gather [hbm4b:s19+s17], $0x800, $0x38;
	[tilespmem:$0x15800] =	vst v63  }
0x21: {  	_ =	swait.ge [sflag:s11], $0x800  }
0x22: {  	[sflag:s11] =	ssyncset.done $0x0  }
0x23: {  	s20 =	simm.s32 $0x0;
	s19 =	simm.s32 $0x40;
	[sflag:s11] =	ssyncadd.s32 $0xFFFFF800  }
.LBB2_5:
0x24: {  	p0 =	sne.s32 s19, $0x1FC0;
	v1 =	vld [tilespmem:s20+$0x14000]  }
0x25: {  	v2 =	vld [tilespmem:s20+$0x14800]  }
0x26: {  	v3 =	vld [tilespmem:s20+$0x15000];
	_ =	sdelay $0x2  }
0x27: {  	v1 =	vshll.u32 v1, $0x2;
	_ =	sdelay $0x4  }
0x28: {  	v4 =	vld.idx.msk [tilespmem:v1+s2+$0x0], $0xffff;
	_ =	sdelay $0x2  }
0x29: {  	v2 =	vshll.u32 v2, $0x2  }
0x2a: {  	v5 =	vor.u32 $0x1, v1;
	_ =	sdelay $0x1  }
0x2b: {  	v4 =	vmul.f32 v4, v3;
	_ =	sdelay $0x1  }
0x2c: {  	[tilespmem:v2+s15+$0x0] =	vst.idx.add.f32.msk $0xffff, v4  }
0x2d: {  	v4 =	vld.idx.msk [tilespmem:v5+s2+$0x0], $0xffff;
	_ =	sdelay $0x2  }
0x2e: {  	v5 =	vor.u32 $0x1, v2  }
0x2f: {  	v6 =	vor.u32 $0x2, v1;
	_ =	sdelay $0x1  }
0x30: {  	v4 =	vmul.f32 v4, v3;
	_ =	sdelay $0x1  }
0x31: {  	[tilespmem:v5+s15+$0x0] =	vst.idx.add.f32.msk $0xffff, v4  }
0x32: {  	v4 =	vld.idx.msk [tilespmem:v6+s2+$0x0], $0xffff;
	_ =	sdelay $0x2  }
0x33: {  	v5 =	vor.u32 $0x2, v2  }
0x34: {  	v1 =	vor.u32 $0x3, v1;
	_ =	sdelay $0x1  }
0x35: {  	v4 =	vmul.f32 v4, v3;
	_ =	sdelay $0x1  }
0x36: {  	[tilespmem:v5+s15+$0x0] =	vst.idx.add.f32.msk $0xffff, v4  }
0x37: {  	v1 =	vld.idx.msk [tilespmem:v1+s2+$0x0], $0xffff;
	_ =	sdelay $0x2  }
0x38: {  	v2 =	vor.u32 $0x3, v2  }
.Ltmp1:
0x39: {  	(pc) =	sbr.rel @p0 .LBB2_5-.Ltmp1, $3  }
0x3a: {  	_ = 	snop  }
0x3b: {  	v1 =	vmul.f32 v1, v3;
	_ =	sdelay $0x1  }
0x3c: {  	s20 =	sshra.s32 s19, $0x2;
	s19 =	sadd.s32 $0x40, s19;
	[tilespmem:v2+s15+$0x0] =	vst.idx.add.f32.msk $0xffff, v1  }
0x3d: {  	v1 =	vld [tilespmem:s20+$0x14000];
	_ =	sdelay $0x4  }
0x3e: {  	v1 =	vshll.u32 v1, $0x2;
	_ =	sdelay $0x1  }
0x3f: {  	v2 =	vld [tilespmem:s20+$0x14800];
	_ =	sdelay $0x1  }
0x40: {  	v3 =	vld [tilespmem:s20+$0x15000]  }
0x41: {  	v4 =	vld.idx.msk [tilespmem:v1+s2+$0x0], $0xffff;
	_ =	sdelay $0x1  }
0x42: {  	v2 =	vshll.u32 v2, $0x2  }
0x43: {  	v5 =	vor.u32 $0x1, v1;
	_ =	sdelay $0x1  }
0x44: {  	v4 =	vmul.f32 v4, v3;
	_ =	sdelay $0x1  }
0x45: {  	[tilespmem:v2+s15+$0x0] =	vst.idx.add.f32.msk $0xffff, v4  }
0x46: {  	v4 =	vld.idx.msk [tilespmem:v5+s2+$0x0], $0xffff;
	_ =	sdelay $0x1  }
0x47: {  	v62 =	vor.u32 $0x1, v2  }
0x48: {  	v6 =	vor.u32 $0x2, v1;
	_ =	sdelay $0x1  }
0x49: {  	v4 =	vmul.f32 v4, v3;
	_ =	sdelay $0x1  }
0x4a: {  	[tilespmem:v62+s15+$0x0] =	vst.idx.add.f32.msk $0xffff, v4  }
0x4b: {  	v4 =	vld.idx.msk [tilespmem:v6+s2+$0x0], $0xffff;
	_ =	sdelay $0x1  }
0x4c: {  	v63 =	vor.u32 $0x2, v2  }
0x4d: {  	v1 =	vor.u32 $0x3, v1;
	_ =	sdelay $0x1  }
0x4e: {  	v4 =	vmul.f32 v4, v3;
	_ =	sdelay $0x1  }
0x4f: {  	[tilespmem:v63+s15+$0x0] =	vst.idx.add.f32.msk $0xffff, v4  }
0x50: {  	v1 =	vld.idx.msk [tilespmem:v1+s2+$0x0], $0xffff  }
0x51: {  	s18 =	sadd.s32 $0x1, s18  }
0x52: {  	p0 =	sne.s32 s18, $0x9E;
	v2 =	vor.u32 $0x3, v2  }
.Ltmp2:
0x53: {  	_ = 	snop;
	(pc) =	sbr.rel @p0 .LBB2_4-.Ltmp2, $3  }
0x54: {  	_ = 	snop  }
0x55: {  	v1 =	vmul.f32 v1, v3;
	_ =	sdelay $0x1  }
0x56: {  	[tilespmem:v2+s15+$0x0] =	vst.idx.add.f32.msk $0xffff, v1  }
0x57: {  	s16 =	sadd.s32 $0x1, s16  }
0x58: {  	p0 =	sne.s32 s16, s8  }
.Ltmp3:
0x59: {  	_ = 	snop;
	(pc) =	sbr.rel @p0 .LBB2_1-.Ltmp3, $4  }
0x5a: {  	[hbm4b:s7+s9] =	stream.strided.scatter [tilespmem:s15], [sflag:$0x1], $0xA000, s10, s9, $0x38;
	[tilespmem:$0x15800] =	vst v63  }
0x5b: {  	_ =	swait.ge [sflag:s11], $0xA000  }
0x5c: {  	[sflag:s11] =	ssyncset.done $0x0  }
0x5d: {  	[sflag:s11] =	ssyncadd.s32 $0xFFFF6000  }
0x5e: {  	_ =	sfence.sel $0x180000  }
0x5f: {  	[bflag:$0x0] =	sbarrier.arrive $0xFFFF  }
0x60: {  	p0 =	sne.s32 s1, $0x0;
	_ =	strace $0x90000050  }
0x61: {  	s0 =	sadd.s32 @!p0 $0x100000, s0;
	[bflag:$0x2] =	sbarrier.arrive $0xFFFF  }
0x62: {  	[sflag:s0] =	ssyncadd.tile.s32 @!p0 $0x1;
	_ =	shalt  }
.Lfunc_end2:
_tile_overlayer_lowered:
.L_overlay_start_2:
0x63: {  	(tag) =	ssettag $0x2  }
0x64: {  	s0 =	rddreg [dreg:$0x0];
	s2 =	stileid.u32  }
0x65: {  	s1 =	rddreg [dreg:$0x1];
	p0 =	sne.s32 s2, $0x0  }
0x66: {  	s3 =	rddreg [dreg:$0x2];
	[bflag:$0x3] =	sbarrier.arrive $0xFFFF;
	s2 =	simm.s32 @!p0 $0x1C01  }
0x67: {  	[timem:s3], [sflag:s2] =	dma.local @!p0 [hbm:s0], s1  }
0x68: {  	s0 =	simm.s32 @!p0 $0x1  }
0x69: {  	_ =	swait.ge @!p0 [sflag:s0], s1  }
0x6a: {  	s1 =	ssub.s32 @!p0 $0x0, s1;
	[sflag:s0] =	ssyncset.done @!p0 $0x0  }
0x6b: {  	[sflag:s0] =	ssyncadd.s32 @!p0 s1  }
0x6c: {  	[bflag:$0x3] =	sbarrier.arrive $0xFFFF  }
0x6d: {  	_ =	shalt  }

</sc_bundles>
